<compile_context>
chip_gen: v7x
topology: tpu7x:2x2x1
jax: 0.10.2.dev20260603
libtpu: 0.0.44.dev20260713+nightly
codegen_flags: <defaults>
</compile_context>

<pallas_src>
import functools

import jax
import jax.numpy as jnp
from jax import lax
from jax.experimental import pallas as pl
from jax.experimental.pallas import tpu as pltpu
from jax.experimental.pallas import tpu_sc as plsc

_G = 2
_R = 2
_DIM = 1024
_DPG = _DIM // _G
_CD = 4
_NIND = 625
_NBINS = 640
_EPS = 1e-5
_HALF_L = 4.0 * (1.0 + 1e-3) / 2.0
_TB = 2048
_TBB = 2048

_NW = 32
_CHUNK = 1024


def _quant_tc_body(x_ref, wi_ref, bi_ref, ind_ref, qb_ref):
    for g in range(_G):
        xb = x_ref[0, g * _DPG:(g + 1) * _DPG]
        h = jnp.dot(wi_ref[g], xb, preferred_element_type=jnp.float32)
        h = h + bi_ref[g]

        def stage(res, scale_inv, scale):
            q = jnp.round(jnp.tanh(res * scale_inv) * _HALF_L)
            idx = ((q[3] * 5.0 + q[2]) * 5.0 + q[1]) * 5.0 + q[0] + 312.0
            return q * (0.5 * scale), idx

        quant0, idx0 = stage(h, 1.0, 1.0)
        quant1, idx1 = stage(h - quant0, 4.0, 0.25)
        qout = quant0 + quant1

        ind_ref[0, g * _R] = idx0.astype(jnp.int32)
        ind_ref[0, g * _R + 1] = idx1.astype(jnp.int32)
        qb_ref[0, g * _CD:(g + 1) * _CD] = qout


def _quant_tc(x, w_in, b_in):
    b, _, t = x.shape
    grid = (b, t // _TB)
    out_shapes = (
        jax.ShapeDtypeStruct((b, _G * _R, t), jnp.int32),
        jax.ShapeDtypeStruct((b, _G * _CD, t), jnp.float32),
    )
    return pl.pallas_call(
        _quant_tc_body,
        grid=grid,
        in_specs=[
            pl.BlockSpec((1, _DIM, _TB), lambda bb, tt: (bb, 0, tt)),
            pl.BlockSpec((_G, _CD, _DPG), lambda bb, tt: (0, 0, 0)),
            pl.BlockSpec((_G, _CD, 1), lambda bb, tt: (0, 0, 0)),
        ],
        out_specs=(
            pl.BlockSpec((1, _G * _R, _TB), lambda bb, tt: (bb, 0, tt)),
            pl.BlockSpec((1, _G * _CD, _TB), lambda bb, tt: (bb, 0, tt)),
        ),
        out_shape=out_shapes,
        compiler_params=pltpu.CompilerParams(
            dimension_semantics=("arbitrary", "arbitrary"),
        ),
    )(x, w_in, b_in)


def _project_tc_body(qb_ref, wo_ref, bo_ref, feat_ref):
    for g in range(_G):
        wo = wo_ref[g]
        wh = wo.astype(jnp.bfloat16)
        wl = (wo - wh.astype(jnp.float32)).astype(jnp.bfloat16)
        qout = qb_ref[0, g * _CD:(g + 1) * _CD].astype(jnp.bfloat16)
        feat_ref[0, g * _DPG:(g + 1) * _DPG] = (
            jnp.dot(wh, qout, preferred_element_type=jnp.float32)
            + jnp.dot(wl, qout, preferred_element_type=jnp.float32)
            + bo_ref[g])


def _project_tc(qb, w_out, b_out3):
    b, _, t = qb.shape
    grid = (b, t // _TBB)
    return pl.pallas_call(
        _project_tc_body,
        grid=grid,
        in_specs=[
            pl.BlockSpec((1, _G * _CD, _TBB), lambda bb, tt: (bb, 0, tt)),
            pl.BlockSpec((_G, _DPG, _CD), lambda bb, tt: (0, 0, 0)),
            pl.BlockSpec((_G, _DPG, 1), lambda bb, tt: (0, 0, 0)),
        ],
        out_specs=pl.BlockSpec((1, _DIM, _TBB), lambda bb, tt: (bb, 0, tt)),
        out_shape=jax.ShapeDtypeStruct((b, _DIM, t), jnp.float32),
        compiler_params=pltpu.CompilerParams(
            dimension_semantics=("arbitrary", "arbitrary"),
        ),
    )(qb, w_out, b_out3)


def _hist_sc_body(ind_hbm, out_hbm, idx_v, hist_v, acc_v, stage_v, shared_v):
    c = lax.axis_index("c")
    s = lax.axis_index("s")
    w = c * 16 + s
    gr = w // 8
    j = w % 8
    b = j // 2
    hh = j % 2

    pltpu.sync_copy(ind_hbm.at[b, gr, pl.ds(hh * _CHUNK, _CHUNK)], idx_v)

    zeros16 = jnp.zeros((16,), dtype=jnp.float32)
    lanes = lax.iota(jnp.int32, 16)

    def zero_body(i, carry):
        for u in range(8):
            hist_v[pl.ds((i * 8 + u) * 16, 16)] = zeros16
        return carry

    lax.fori_loop(0, 16 * _NBINS // 16 // 8, zero_body, 0)

    ones16 = jnp.ones((16,), dtype=jnp.float32)
    lane_off = lanes * _NBINS

    def scat_body(i, carry):
        for u in range(8):
            v = idx_v[pl.ds((i * 8 + u) * 16, 16)]
            plsc.addupdate_scatter(hist_v, [lane_off + v], ones16)
        return carry

    lax.fori_loop(0, _CHUNK // 16 // 8, scat_body, 0)

    def red_body(j, carry):
        tot = hist_v[pl.ds(j * 16, 16)]
        for l in range(1, 16):
            tot = tot + hist_v[pl.ds(l * _NBINS + j * 16, 16)]
        acc_v[pl.ds(j * 16, 16)] = tot
        return carry

    lax.fori_loop(0, _NBINS // 16, red_body, 0)

    pltpu.sync_copy(acc_v, shared_v.at[s])
    plsc.subcore_barrier()

    @pl.when(jnp.logical_or(s == 0, s == 8))
    def _():
        base = (s // 8) * 8
        pltpu.sync_copy(shared_v.at[pl.ds(base, 8)], stage_v)

        inv = jnp.float32(1.0 / 8192.0)

        def sum_body(jj, sv):
            tot = stage_v[0, pl.ds(jj * 16, 16)]
            for rr in range(1, 8):
                tot = tot + stage_v[rr, pl.ds(jj * 16, 16)]
            acc_v[pl.ds(jj * 16, 16)] = tot
            return sv + tot

        sv = lax.fori_loop(0, _NBINS // 16, sum_body,
                           jnp.zeros((16,), jnp.float32))
        ssum = jnp.sum(sv) * inv
        rdenom = 1.0 / jnp.full((16,), ssum + _EPS, dtype=jnp.float32)

        ln2 = jnp.float32(0.6931471805599453)

        def ent_body(jj, tv):
            cnt = acc_v[pl.ds(jj * 16, 16)]
            p = cnt * inv * rdenom
            x = p + _EPS
            i = plsc.bitcast(x, jnp.int32)
            eexp = ((i >> 23) & 0xFF) - 127
            m = plsc.bitcast((i & 0x7FFFFF) | 0x3F800000, jnp.float32)
            r = (m - 1.0) / (m + 1.0)
            t = r * r
            at = r * (1.0 + t * (jnp.float32(1 / 3) + t * (
                jnp.float32(1 / 5) + t * (jnp.float32(1 / 7)
                                          + t * jnp.float32(1 / 9)))))
            lnx = eexp.astype(jnp.float32) * ln2 + 2.0 * at
            return tv + p * lnx

        tv = lax.fori_loop(0, _NBINS // 16, ent_body,
                           jnp.zeros((16,), jnp.float32))
        nsum = -jnp.sum(tv)
        plxv = jnp.exp(jnp.full((16,), nsum, dtype=jnp.float32))
        lanes16 = lax.iota(jnp.int32, 16)
        acc_v[pl.ds(0, 16)] = jnp.where(lanes16 == 0, plxv, 0.0)
        pltpu.sync_copy(acc_v.at[pl.ds(0, 16)],
                        out_hbm.at[pl.ds(gr * 16, 16)])


def _hist_stats(ind):
    mesh = plsc.VectorSubcoreMesh(core_axis_name="c", subcore_axis_name="s")
    k = functools.partial(
        pl.kernel,
        mesh=mesh,
        out_type=jax.ShapeDtypeStruct((4 * 16,), jnp.float32),
        scratch_types=[
            pltpu.VMEM((_CHUNK,), jnp.int32),
            pltpu.VMEM((16 * _NBINS,), jnp.float32),
            pltpu.VMEM((_NBINS,), jnp.float32),
            pltpu.VMEM((8, _NBINS), jnp.float32),
            pltpu.VMEM_SHARED((16, _NBINS), jnp.float32),
        ],
        compiler_params=pltpu.CompilerParams(
            needs_layout_passes=False, skip_device_barrier=True),
    )(_hist_sc_body)
    return k(ind)


def kernel(x, W_in, b_in, W_out, b_out):
    b, d, t = x.shape
    bi = b_in[:, :, None]
    bo = b_out[:, :, None]

    ind_out, qb = _quant_tc(x, W_in, bi)
    feat = _project_tc(qb, W_out, bo)

    perp = _hist_stats(ind_out).reshape(4, 16)[:, 0]

    zeros = jnp.zeros((4,), dtype=x.dtype)
    return zeros, feat, perp, ind_out

# --- scband reference (transcript-rebuilt; emitter-appended) ---
"""Pipeline reference for scband-gfsq-51256139710669 (READ-ONLY COPY).

The authoritative reference and input builder live on the scoring server;
editing this copy changes nothing except your own understanding.
"""

import jax, jax.numpy as jnp
import numpy as np

LEVELS = [5, 5, 5, 5]
G = 2
R = 2
DIM = 1024
DPG = DIM // G
CD = len(LEVELS)
N_IND = int(np.prod(LEVELS))
EPS = 1e-05


def setup_inputs(seed: int = 0):
    key = jax.random.key(seed)
    ks = jax.random.split(key, 5)
    x = jax.random.normal(ks[0], (4, DIM, 2048), dtype=jnp.float32)
    s_in = 1.0 / np.sqrt(DPG)
    s_out = 1.0 / np.sqrt(CD)
    W_in = jax.random.uniform(ks[1], (G, CD, DPG), minval=-s_in, maxval=s_in, dtype=jnp.float32)
    b_in = jax.random.uniform(ks[2], (G, CD), minval=-s_in, maxval=s_in, dtype=jnp.float32)
    W_out = jax.random.uniform(ks[3], (G, DPG, CD), minval=-s_out, maxval=s_out, dtype=jnp.float32)
    b_out = jax.random.uniform(ks[4], (G, DPG), minval=-s_out, maxval=s_out, dtype=jnp.float32)
    return {"x": x, "W_in": W_in, "b_in": b_in, "W_out": W_out, "b_out": b_out}


def _fsq(z):
    # FSQ from vector-quantize-pytorch: bound -> round (STE) -> normalize
    levels_f = jnp.asarray(LEVELS, dtype=jnp.float32)
    half_l = (levels_f - 1.0) * (1.0 + 1e-3) / 2.0
    offset = jnp.where(jnp.asarray(LEVELS) % 2 == 0, 0.5, 0.0)
    shift = jnp.arctanh(offset / half_l)
    bounded = jnp.tanh(z + shift) * half_l - offset
    quantized = bounded + jax.lax.stop_gradient(jnp.round(bounded) - bounded)
    half_width = jnp.asarray([l // 2 for l in LEVELS], dtype=jnp.float32)
    codes = quantized / half_width
    basis = jnp.asarray(np.cumprod([1] + LEVELS[:-1]), dtype=jnp.float32)
    zhat = codes * half_width + half_width
    indices = jnp.sum(zhat * basis, axis=-1).astype(jnp.int32)
    return codes, indices


def _residual_fsq(xg, W_in, b_in, W_out, b_out):
    # ResidualFSQ: project_in -> R residual FSQ stages with per-stage scale -> project_out
    h = xg @ W_in.T + b_in
    levels_m1 = jnp.asarray(LEVELS, dtype=jnp.float32) - 1.0
    quantized_out = jnp.zeros_like(h)
    residual = h
    inds = []
    for q in range(R):
        scale = levels_m1 ** (-float(q))
        codes, indices = _fsq(residual / scale)
        quantized = codes * scale
        residual = residual - jax.lax.stop_gradient(quantized)
        quantized_out = quantized_out + quantized
        inds.append(indices)
    out = quantized_out @ W_out.T + b_out
    return out, jnp.stack(inds, axis=-1)


def reference(x, W_in, b_in, W_out, b_out):
    # GFSQ.forward with transpose=True: x (B, D, T)
    xt = jnp.swapaxes(x, 1, 2)  # (B, T, D)
    chunks = jnp.split(xt, G, axis=-1)
    feats = []
    inds = []
    for g in range(G):
        f, i = _residual_fsq(chunks[g], W_in[g], b_in[g], W_out[g], b_out[g])
        feats.append(f)
        inds.append(i)
    feat = jnp.concatenate(feats, axis=-1)  # (B, T, D)
    ind = jnp.stack(inds, axis=0)  # (G, B, T, R)
    B, T = ind.shape[1], ind.shape[2]
    ind = jnp.transpose(ind, (1, 2, 0, 3)).reshape(B, T, G * R)  # (B, T, G*R)
    onehot = jax.nn.one_hot(ind, N_IND, dtype=x.dtype)  # (B, T, G*R, n_ind)
    e_mean = jnp.mean(onehot, axis=(0, 1))  # (G*R, n_ind)
    e_mean = e_mean / (jnp.sum(e_mean, axis=1, keepdims=True) + EPS)
    perplexity = jnp.exp(-jnp.sum(e_mean * jnp.log(e_mean + EPS), axis=1))  # (G*R,)
    zeros = jnp.zeros_like(perplexity)
    feat_out = jnp.swapaxes(feat, 1, 2)  # (B, D, T)
    ind_out = jnp.swapaxes(ind, 1, 2)  # (B, G*R, T)
    return zeros, feat_out, perplexity, ind_out

if __name__ == "__main__":
    import jax
    _d = setup_inputs()
    print(jax.jit(kernel)(*tuple(_d.values())))

</pallas_src>

<mosaic_0001>
#map = affine_map<(d0, d1) -> (0, 0, 0)>
#map1 = affine_map<(d0, d1) -> (0)>
module attributes {stable_mosaic.version = 14 : i64} {
  func.func @_hist_sc_body(%arg0: i32, %arg1: i32, %arg2: memref<4x4x2048xi32, #tpu.memory_space<hbm>>, %arg3: memref<64xf32, #tpu.memory_space<hbm>>, %arg4: memref<1024xi32, #tpu.memory_space<vmem>>, %arg5: memref<10240xf32, #tpu.memory_space<vmem>>, %arg6: memref<640xf32, #tpu.memory_space<vmem>>, %arg7: memref<8x640xf32, #tpu.memory_space<vmem>>, %arg8: memref<16x640xf32, #tpu.memory_space<vmem_shared>>) attributes {dimension_semantics = [#tpu.dimension_semantics<core_parallel>, #tpu.dimension_semantics<subcore_parallel>], iteration_bounds = array<i64: 2, 16>, scalar_prefetch = 0 : i64, scratch_operands = 5 : i64, tpu.core_type = #tpu.core_type<sc_vector_subcore>, window_params = [{transform_indices = #map}, {transform_indices = #map1}]} {
    %mul3A = arith.constant 16 : i32
    %mul3A_0 = arith.muli %arg0, %mul3A : i32
    %add3A = arith.addi %mul3A_0, %arg1 : i32
    %jit3A = arith.constant 8 : i32
    %div3A = arith.divsi %add3A, %jit3A : i32
    %sign3A = arith.constant 0 : i32
    %sign3A_1 = arith.cmpi sgt, %add3A, %sign3A : i32
    %sign3A_2 = arith.extui %sign3A_1 : i1 to i32
    %sign3A_3 = arith.constant 0 : i32
    %sign3A_4 = arith.cmpi slt, %add3A, %sign3A_3 : i32
    %sign3A_5 = arith.extui %sign3A_4 : i1 to i32
    %sign3A_6 = arith.subi %sign3A_2, %sign3A_5 : i32
    %sign3A_7 = arith.constant 0 : i32
    %sign3A_8 = arith.cmpi sgt, %jit3A, %sign3A_7 : i32
    %sign3A_9 = arith.extui %sign3A_8 : i1 to i32
    %sign3A_10 = arith.constant 0 : i32
    %sign3A_11 = arith.cmpi slt, %jit3A, %sign3A_10 : i32
    %sign3A_12 = arith.extui %sign3A_11 : i1 to i32
    %sign3A_13 = arith.subi %sign3A_9, %sign3A_12 : i32
    %ne3A = arith.cmpi ne, %sign3A_6, %sign3A_13 : i32
    %rem3A = arith.remsi %add3A, %jit3A : i32
    %ne3A_14 = arith.constant 0 : i32
    %ne3A_15 = arith.cmpi ne, %rem3A, %ne3A_14 : i32
    %and3A = arith.andi %ne3A, %ne3A_15 : i1
    %sub3A = arith.constant 1 : i32
    %sub3A_16 = arith.subi %div3A, %sub3A : i32
    %select_n3A = arith.select %and3A, %sub3A_16, %div3A : i32
    %jit3A_17 = arith.constant 8 : i32
    %eq3A = arith.constant 0 : i32
    %eq3A_18 = arith.cmpi eq, %jit3A_17, %eq3A : i32
    %jit3A_19 = arith.constant 1 : i32
    %select_n3A_20 = arith.select %eq3A_18, %jit3A_19, %jit3A_17 : i32
    %rem3A_21 = arith.remsi %add3A, %select_n3A_20 : i32
    %ne3A_22 = arith.constant 0 : i32
    %ne3A_23 = arith.cmpi ne, %rem3A_21, %ne3A_22 : i32
    %lt3A = arith.constant 0 : i32
    %lt3A_24 = arith.cmpi slt, %rem3A_21, %lt3A : i32
    %lt3A_25 = arith.constant 0 : i32
    %lt3A_26 = arith.cmpi slt, %select_n3A_20, %lt3A_25 : i32
    %ne3A_27 = arith.xori %lt3A_24, %lt3A_26 : i1
    %and3A_28 = arith.andi %ne3A_27, %ne3A_23 : i1
    %add3A_29 = arith.addi %rem3A_21, %select_n3A_20 : i32
    %select_n3A_30 = arith.select %and3A_28, %add3A_29, %rem3A_21 : i32
    %jit3A_31 = arith.constant 2 : i32
    %div3A_32 = arith.divsi %select_n3A_30, %jit3A_31 : i32
    %sign3A_33 = arith.constant 0 : i32
    %sign3A_34 = arith.cmpi sgt, %select_n3A_30, %sign3A_33 : i32
    %sign3A_35 = arith.extui %sign3A_34 : i1 to i32
    %sign3A_36 = arith.constant 0 : i32
    %sign3A_37 = arith.cmpi slt, %select_n3A_30, %sign3A_36 : i32
    %sign3A_38 = arith.extui %sign3A_37 : i1 to i32
    %sign3A_39 = arith.subi %sign3A_35, %sign3A_38 : i32
    %sign3A_40 = arith.constant 0 : i32
    %sign3A_41 = arith.cmpi sgt, %jit3A_31, %sign3A_40 : i32
    %sign3A_42 = arith.extui %sign3A_41 : i1 to i32
    %sign3A_43 = arith.constant 0 : i32
    %sign3A_44 = arith.cmpi slt, %jit3A_31, %sign3A_43 : i32
    %sign3A_45 = arith.extui %sign3A_44 : i1 to i32
    %sign3A_46 = arith.subi %sign3A_42, %sign3A_45 : i32
    %ne3A_47 = arith.cmpi ne, %sign3A_39, %sign3A_46 : i32
    %rem3A_48 = arith.remsi %select_n3A_30, %jit3A_31 : i32
    %ne3A_49 = arith.constant 0 : i32
    %ne3A_50 = arith.cmpi ne, %rem3A_48, %ne3A_49 : i32
    %and3A_51 = arith.andi %ne3A_47, %ne3A_50 : i1
    %sub3A_52 = arith.constant 1 : i32
    %sub3A_53 = arith.subi %div3A_32, %sub3A_52 : i32
    %select_n3A_54 = arith.select %and3A_51, %sub3A_53, %div3A_32 : i32
    %jit3A_55 = arith.constant 2 : i32
    %eq3A_56 = arith.constant 0 : i32
    %eq3A_57 = arith.cmpi eq, %jit3A_55, %eq3A_56 : i32
    %jit3A_58 = arith.constant 1 : i32
    %select_n3A_59 = arith.select %eq3A_57, %jit3A_58, %jit3A_55 : i32
    %rem3A_60 = arith.remsi %select_n3A_30, %select_n3A_59 : i32
    %ne3A_61 = arith.constant 0 : i32
    %ne3A_62 = arith.cmpi ne, %rem3A_60, %ne3A_61 : i32
    %lt3A_63 = arith.constant 0 : i32
    %lt3A_64 = arith.cmpi slt, %rem3A_60, %lt3A_63 : i32
    %lt3A_65 = arith.constant 0 : i32
    %lt3A_66 = arith.cmpi slt, %select_n3A_59, %lt3A_65 : i32
    %ne3A_67 = arith.xori %lt3A_64, %lt3A_66 : i1
    %and3A_68 = arith.andi %ne3A_67, %ne3A_62 : i1
    %add3A_69 = arith.addi %rem3A_60, %select_n3A_59 : i32
    %select_n3A_70 = arith.select %and3A_68, %add3A_69, %rem3A_60 : i32
    %mul3A_71 = arith.constant 1024 : i32
    %mul3A_72 = arith.muli %select_n3A_70, %mul3A_71 : i32
    "tpu.region"() ({
      %run_scoped3A = tpu.sem_alloc : memref<!tpu.dma_semaphore, #tpu.memory_space<semaphore_mem>>
      %dma_start3A = tpu.memref_slice %arg2[%select_n3A_54, %select_n3A, %mul3A_72] : memref<4x4x2048xi32, #tpu.memory_space<hbm>> -> memref<1x1x1024xi32, #tpu.memory_space<hbm>>
      %dma_start3A_101 = tpu.memref_squeeze %dma_start3A : memref<1x1x1024xi32, #tpu.memory_space<hbm>> -> memref<1024xi32, #tpu.memory_space<hbm>>
      %dma_start3A_102 = tpu.memref_slice %arg2[%select_n3A_54, %select_n3A, %mul3A_72] : memref<4x4x2048xi32, #tpu.memory_space<hbm>> -> memref<1x1x1024xi32, #tpu.memory_space<hbm>>
      %dma_start3A_103 = tpu.memref_squeeze %dma_start3A_102 : memref<1x1x1024xi32, #tpu.memory_space<hbm>> -> memref<1024xi32, #tpu.memory_space<hbm>>
      tpu.enqueue_dma source(%dma_start3A_103 : memref<1024xi32, #tpu.memory_space<hbm>>) target(%arg4 : memref<1024xi32, #tpu.memory_space<vmem>>) target_semaphore(%run_scoped3A : memref<!tpu.dma_semaphore, #tpu.memory_space<semaphore_mem>>)
      %dma_wait3A = tpu.memref_slice %arg2[%select_n3A_54, %select_n3A, %mul3A_72] : memref<4x4x2048xi32, #tpu.memory_space<hbm>> -> memref<1x1x1024xi32, #tpu.memory_space<hbm>>
      %dma_wait3A_104 = tpu.memref_squeeze %dma_wait3A : memref<1x1x1024xi32, #tpu.memory_space<hbm>> -> memref<1024xi32, #tpu.memory_space<hbm>>
      %dma_wait3A_105 = tpu.memref_slice %arg2[%select_n3A_54, %select_n3A, %mul3A_72] : memref<4x4x2048xi32, #tpu.memory_space<hbm>> -> memref<1x1x1024xi32, #tpu.memory_space<hbm>>
      %dma_wait3A_106 = tpu.memref_squeeze %dma_wait3A_105 : memref<1x1x1024xi32, #tpu.memory_space<hbm>> -> memref<1024xi32, #tpu.memory_space<hbm>>
      tpu.wait_dma2 semaphore(%run_scoped3A : memref<!tpu.dma_semaphore, #tpu.memory_space<semaphore_mem>>) src(%dma_wait3A_106 : memref<1024xi32, #tpu.memory_space<hbm>>) dst(%arg4 : memref<1024xi32, #tpu.memory_space<vmem>>)
      tpu.yield
    }) : () -> ()
    %broadcast_in_dim3A = arith.constant 0.000000e+00 : f32
    %broadcast_in_dim3A_73 = vector.broadcast %broadcast_in_dim3A : f32 to vector<16xf32>
    %iota3A = tpu.iota {dimensions = array<i32: 0>} : vector<16xi32>
    %scan3A = arith.constant 0 : i32
    %scan3A_74 = arith.constant 0 : i32
    %scan3A_75 = arith.constant 80 : i32
    %scan3A_76 = arith.addi %scan3A_74, %scan3A_75 : i32
    %scan3A_77 = arith.constant 1 : i32
    scf.for %scan3A_101 = %scan3A_74 to %scan3A_76 step %scan3A_77  : i32 {
      %mul3A_102 = arith.constant 8 : i32
      %mul3A_103 = arith.muli %scan3A_101, %mul3A_102 : i32
      %add3A_104 = arith.constant 0 : i32
      %add3A_105 = arith.addi %mul3A_103, %add3A_104 : i32
      %mul3A_106 = arith.constant 16 : i32
      %mul3A_107 = arith.muli %add3A_105, %mul3A_106 : i32
      %swap3A = arith.index_cast %mul3A_107 : i32 to index
      %swap3A_108 = tpu.vector_load %arg5[%swap3A] {strides = array<i32>} : memref<10240xf32, #tpu.memory_space<vmem>>, vector<16xf32>,
      tpu.vector_store %arg5[%swap3A], %broadcast_in_dim3A_73 {strides = array<i32>} : memref<10240xf32, #tpu.memory_space<vmem>>, vector<16xf32>,
      %mul3A_109 = arith.constant 8 : i32
      %mul3A_110 = arith.muli %scan3A_101, %mul3A_109 : i32
      %add3A_111 = arith.constant 1 : i32
      %add3A_112 = arith.addi %mul3A_110, %add3A_111 : i32
      %mul3A_113 = arith.constant 16 : i32
      %mul3A_114 = arith.muli %add3A_112, %mul3A_113 : i32
      %swap3A_115 = arith.index_cast %mul3A_114 : i32 to index
      %swap3A_116 = tpu.vector_load %arg5[%swap3A_115] {strides = array<i32>} : memref<10240xf32, #tpu.memory_space<vmem>>, vector<16xf32>,
      tpu.vector_store %arg5[%swap3A_115], %broadcast_in_dim3A_73 {strides = array<i32>} : memref<10240xf32, #tpu.memory_space<vmem>>, vector<16xf32>,
      %mul3A_117 = arith.constant 8 : i32
      %mul3A_118 = arith.muli %scan3A_101, %mul3A_117 : i32
      %add3A_119 = arith.constant 2 : i32
      %add3A_120 = arith.addi %mul3A_118, %add3A_119 : i32
      %mul3A_121 = arith.constant 16 : i32
      %mul3A_122 = arith.muli %add3A_120, %mul3A_121 : i32
      %swap3A_123 = arith.index_cast %mul3A_122 : i32 to index
      %swap3A_124 = tpu.vector_load %arg5[%swap3A_123] {strides = array<i32>} : memref<10240xf32, #tpu.memory_space<vmem>>, vector<16xf32>,
      tpu.vector_store %arg5[%swap3A_123], %broadcast_in_dim3A_73 {strides = array<i32>} : memref<10240xf32, #tpu.memory_space<vmem>>, vector<16xf32>,
      %mul3A_125 = arith.constant 8 : i32
      %mul3A_126 = arith.muli %scan3A_101, %mul3A_125 : i32
      %add3A_127 = arith.constant 3 : i32
      %add3A_128 = arith.addi %mul3A_126, %add3A_127 : i32
      %mul3A_129 = arith.constant 16 : i32
      %mul3A_130 = arith.muli %add3A_128, %mul3A_129 : i32
      %swap3A_131 = arith.index_cast %mul3A_130 : i32 to index
      %swap3A_132 = tpu.vector_load %arg5[%swap3A_131] {strides = array<i32>} : memref<10240xf32, #tpu.memory_space<vmem>>, vector<16xf32>,
      tpu.vector_store %arg5[%swap3A_131], %broadcast_in_dim3A_73 {strides = array<i32>} : memref<10240xf32, #tpu.memory_space<vmem>>, vector<16xf32>,
      %mul3A_133 = arith.constant 8 : i32
      %mul3A_134 = arith.muli %scan3A_101, %mul3A_133 : i32
      %add3A_135 = arith.constant 4 : i32
      %add3A_136 = arith.addi %mul3A_134, %add3A_135 : i32
      %mul3A_137 = arith.constant 16 : i32
      %mul3A_138 = arith.muli %add3A_136, %mul3A_137 : i32
      %swap3A_139 = arith.index_cast %mul3A_138 : i32 to index
      %swap3A_140 = tpu.vector_load %arg5[%swap3A_139] {strides = array<i32>} : memref<10240xf32, #tpu.memory_space<vmem>>, vector<16xf32>,
      tpu.vector_store %arg5[%swap3A_139], %broadcast_in_dim3A_73 {strides = array<i32>} : memref<10240xf32, #tpu.memory_space<vmem>>, vector<16xf32>,
      %mul3A_141 = arith.constant 8 : i32
      %mul3A_142 = arith.muli %scan3A_101, %mul3A_141 : i32
      %add3A_143 = arith.constant 5 : i32
      %add3A_144 = arith.addi %mul3A_142, %add3A_143 : i32
      %mul3A_145 = arith.constant 16 : i32
      %mul3A_146 = arith.muli %add3A_144, %mul3A_145 : i32
      %swap3A_147 = arith.index_cast %mul3A_146 : i32 to index
      %swap3A_148 = tpu.vector_load %arg5[%swap3A_147] {strides = array<i32>} : memref<10240xf32, #tpu.memory_space<vmem>>, vector<16xf32>,
      tpu.vector_store %arg5[%swap3A_147], %broadcast_in_dim3A_73 {strides = array<i32>} : memref<10240xf32, #tpu.memory_space<vmem>>, vector<16xf32>,
      %mul3A_149 = arith.constant 8 : i32
      %mul3A_150 = arith.muli %scan3A_101, %mul3A_149 : i32
      %add3A_151 = arith.constant 6 : i32
      %add3A_152 = arith.addi %mul3A_150, %add3A_151 : i32
      %mul3A_153 = arith.constant 16 : i32
      %mul3A_154 = arith.muli %add3A_152, %mul3A_153 : i32
      %swap3A_155 = arith.index_cast %mul3A_154 : i32 to index
      %swap3A_156 = tpu.vector_load %arg5[%swap3A_155] {strides = array<i32>} : memref<10240xf32, #tpu.memory_space<vmem>>, vector<16xf32>,
      tpu.vector_store %arg5[%swap3A_155], %broadcast_in_dim3A_73 {strides = array<i32>} : memref<10240xf32, #tpu.memory_space<vmem>>, vector<16xf32>,
      %mul3A_157 = arith.constant 8 : i32
      %mul3A_158 = arith.muli %scan3A_101, %mul3A_157 : i32
      %add3A_159 = arith.constant 7 : i32
      %add3A_160 = arith.addi %mul3A_158, %add3A_159 : i32
      %mul3A_161 = arith.constant 16 : i32
      %mul3A_162 = arith.muli %add3A_160, %mul3A_161 : i32
      %swap3A_163 = arith.index_cast %mul3A_162 : i32 to index
      %swap3A_164 = tpu.vector_load %arg5[%swap3A_163] {strides = array<i32>} : memref<10240xf32, #tpu.memory_space<vmem>>, vector<16xf32>,
      tpu.vector_store %arg5[%swap3A_163], %broadcast_in_dim3A_73 {strides = array<i32>} : memref<10240xf32, #tpu.memory_space<vmem>>, vector<16xf32>,
    }
    %scan3A_78 = arith.constant 80 : i32
    %broadcast_in_dim3A_79 = arith.constant 1.000000e+00 : f32
    %broadcast_in_dim3A_80 = vector.broadcast %broadcast_in_dim3A_79 : f32 to vector<16xf32>
    %mul3A_81 = arith.constant 640 : i32
    %mul3A_82 = vector.broadcast %mul3A_81 : i32 to vector<16xi32>
    %mul3A_83 = arith.muli %iota3A, %mul3A_82 : vector<16xi32>
    %scan3A_84 = arith.constant 0 : i32
    %scan3A_85 = arith.constant 0 : i32
    %scan3A_86 = arith.constant 8 : i32
    %scan3A_87 = arith.addi %scan3A_85, %scan3A_86 : i32
    %scan3A_88 = arith.constant 1 : i32
    scf.for %scan3A_101 = %scan3A_85 to %scan3A_87 step %scan3A_88  : i32 {
      %mul3A_102 = arith.constant 8 : i32
      %mul3A_103 = arith.muli %scan3A_101, %mul3A_102 : i32
      %add3A_104 = arith.constant 0 : i32
      %add3A_105 = arith.addi %mul3A_103, %add3A_104 : i32
      %mul3A_106 = arith.constant 16 : i32
      %mul3A_107 = arith.muli %add3A_105, %mul3A_106 : i32
      %get3A = arith.index_cast %mul3A_107 : i32 to index
      %get3A_108 = tpu.vector_load %arg4[%get3A] {strides = array<i32>} : memref<1024xi32, #tpu.memory_space<vmem>>, vector<16xi32>,
      %add3A_109 = arith.addi %mul3A_83, %get3A_108 : vector<16xi32>
      tpu.vector_store_idx %arg5[%add3A_109], %broadcast_in_dim3A_80 {add = true} : memref<10240xf32, #tpu.memory_space<vmem>>[vector<16xi32>], vector<16xf32>,
      %mul3A_110 = arith.constant 8 : i32
      %mul3A_111 = arith.muli %scan3A_101, %mul3A_110 : i32
      %add3A_112 = arith.constant 1 : i32
      %add3A_113 = arith.addi %mul3A_111, %add3A_112 : i32
      %mul3A_114 = arith.constant 16 : i32
      %mul3A_115 = arith.muli %add3A_113, %mul3A_114 : i32
      %get3A_116 = arith.index_cast %mul3A_115 : i32 to index
      %get3A_117 = tpu.vector_load %arg4[%get3A_116] {strides = array<i32>} : memref<1024xi32, #tpu.memory_space<vmem>>, vector<16xi32>,
      %add3A_118 = arith.addi %mul3A_83, %get3A_117 : vector<16xi32>
      tpu.vector_store_idx %arg5[%add3A_118], %broadcast_in_dim3A_80 {add = true} : memref<10240xf32, #tpu.memory_space<vmem>>[vector<16xi32>], vector<16xf32>,
      %mul3A_119 = arith.constant 8 : i32
      %mul3A_120 = arith.muli %scan3A_101, %mul3A_119 : i32
      %add3A_121 = arith.constant 2 : i32
      %add3A_122 = arith.addi %mul3A_120, %add3A_121 : i32
      %mul3A_123 = arith.constant 16 : i32
      %mul3A_124 = arith.muli %add3A_122, %mul3A_123 : i32
      %get3A_125 = arith.index_cast %mul3A_124 : i32 to index
      %get3A_126 = tpu.vector_load %arg4[%get3A_125] {strides = array<i32>} : memref<1024xi32, #tpu.memory_space<vmem>>, vector<16xi32>,
      %add3A_127 = arith.addi %mul3A_83, %get3A_126 : vector<16xi32>
      tpu.vector_store_idx %arg5[%add3A_127], %broadcast_in_dim3A_80 {add = true} : memref<10240xf32, #tpu.memory_space<vmem>>[vector<16xi32>], vector<16xf32>,
      %mul3A_128 = arith.constant 8 : i32
      %mul3A_129 = arith.muli %scan3A_101, %mul3A_128 : i32
      %add3A_130 = arith.constant 3 : i32
      %add3A_131 = arith.addi %mul3A_129, %add3A_130 : i32
      %mul3A_132 = arith.constant 16 : i32
      %mul3A_133 = arith.muli %add3A_131, %mul3A_132 : i32
      %get3A_134 = arith.index_cast %mul3A_133 : i32 to index
      %get3A_135 = tpu.vector_load %arg4[%get3A_134] {strides = array<i32>} : memref<1024xi32, #tpu.memory_space<vmem>>, vector<16xi32>,
      %add3A_136 = arith.addi %mul3A_83, %get3A_135 : vector<16xi32>
      tpu.vector_store_idx %arg5[%add3A_136], %broadcast_in_dim3A_80 {add = true} : memref<10240xf32, #tpu.memory_space<vmem>>[vector<16xi32>], vector<16xf32>,
      %mul3A_137 = arith.constant 8 : i32
      %mul3A_138 = arith.muli %scan3A_101, %mul3A_137 : i32
      %add3A_139 = arith.constant 4 : i32
      %add3A_140 = arith.addi %mul3A_138, %add3A_139 : i32
      %mul3A_141 = arith.constant 16 : i32
      %mul3A_142 = arith.muli %add3A_140, %mul3A_141 : i32
      %get3A_143 = arith.index_cast %mul3A_142 : i32 to index
      %get3A_144 = tpu.vector_load %arg4[%get3A_143] {strides = array<i32>} : memref<1024xi32, #tpu.memory_space<vmem>>, vector<16xi32>,
      %add3A_145 = arith.addi %mul3A_83, %get3A_144 : vector<16xi32>
      tpu.vector_store_idx %arg5[%add3A_145], %broadcast_in_dim3A_80 {add = true} : memref<10240xf32, #tpu.memory_space<vmem>>[vector<16xi32>], vector<16xf32>,
      %mul3A_146 = arith.constant 8 : i32
      %mul3A_147 = arith.muli %scan3A_101, %mul3A_146 : i32
      %add3A_148 = arith.constant 5 : i32
      %add3A_149 = arith.addi %mul3A_147, %add3A_148 : i32
      %mul3A_150 = arith.constant 16 : i32
      %mul3A_151 = arith.muli %add3A_149, %mul3A_150 : i32
      %get3A_152 = arith.index_cast %mul3A_151 : i32 to index
      %get3A_153 = tpu.vector_load %arg4[%get3A_152] {strides = array<i32>} : memref<1024xi32, #tpu.memory_space<vmem>>, vector<16xi32>,
      %add3A_154 = arith.addi %mul3A_83, %get3A_153 : vector<16xi32>
      tpu.vector_store_idx %arg5[%add3A_154], %broadcast_in_dim3A_80 {add = true} : memref<10240xf32, #tpu.memory_space<vmem>>[vector<16xi32>], vector<16xf32>,
      %mul3A_155 = arith.constant 8 : i32
      %mul3A_156 = arith.muli %scan3A_101, %mul3A_155 : i32
      %add3A_157 = arith.constant 6 : i32
      %add3A_158 = arith.addi %mul3A_156, %add3A_157 : i32
      %mul3A_159 = arith.constant 16 : i32
      %mul3A_160 = arith.muli %add3A_158, %mul3A_159 : i32
      %get3A_161 = arith.index_cast %mul3A_160 : i32 to index
      %get3A_162 = tpu.vector_load %arg4[%get3A_161] {strides = array<i32>} : memref<1024xi32, #tpu.memory_space<vmem>>, vector<16xi32>,
      %add3A_163 = arith.addi %mul3A_83, %get3A_162 : vector<16xi32>
      tpu.vector_store_idx %arg5[%add3A_163], %broadcast_in_dim3A_80 {add = true} : memref<10240xf32, #tpu.memory_space<vmem>>[vector<16xi32>], vector<16xf32>,
      %mul3A_164 = arith.constant 8 : i32
      %mul3A_165 = arith.muli %scan3A_101, %mul3A_164 : i32
      %add3A_166 = arith.constant 7 : i32
      %add3A_167 = arith.addi %mul3A_165, %add3A_166 : i32
      %mul3A_168 = arith.constant 16 : i32
      %mul3A_169 = arith.muli %add3A_167, %mul3A_168 : i32
      %get3A_170 = arith.index_cast %mul3A_169 : i32 to index
      %get3A_171 = tpu.vector_load %arg4[%get3A_170] {strides = array<i32>} : memref<1024xi32, #tpu.memory_space<vmem>>, vector<16xi32>,
      %add3A_172 = arith.addi %mul3A_83, %get3A_171 : vector<16xi32>
      tpu.vector_store_idx %arg5[%add3A_172], %broadcast_in_dim3A_80 {add = true} : memref<10240xf32, #tpu.memory_space<vmem>>[vector<16xi32>], vector<16xf32>,
    }
    %scan3A_89 = arith.constant 8 : i32
    %scan3A_90 = arith.constant 0 : i32
    %scan3A_91 = arith.constant 0 : i32
    %scan3A_92 = arith.constant 40 : i32
    %scan3A_93 = arith.addi %scan3A_91, %scan3A_92 : i32
    %scan3A_94 = arith.constant 1 : i32
    scf.for %scan3A_101 = %scan3A_91 to %scan3A_93 step %scan3A_94  : i32 {
      %mul3A_102 = arith.constant 16 : i32
      %mul3A_103 = arith.muli %scan3A_101, %mul3A_102 : i32
      %get3A = arith.index_cast %mul3A_103 : i32 to index
      %get3A_104 = tpu.vector_load %arg5[%get3A] {strides = array<i32>} : memref<10240xf32, #tpu.memory_space<vmem>>, vector<16xf32>,
      %mul3A_105 = arith.constant 16 : i32
      %mul3A_106 = arith.muli %scan3A_101, %mul3A_105 : i32
      %add3A_107 = arith.constant 640 : i32
      %add3A_108 = arith.addi %add3A_107, %mul3A_106 : i32
      %get3A_109 = arith.index_cast %add3A_108 : i32 to index
      %get3A_110 = tpu.vector_load %arg5[%get3A_109] {strides = array<i32>} : memref<10240xf32, #tpu.memory_space<vmem>>, vector<16xf32>,
      %add3A_111 = arith.addf %get3A_104, %get3A_110 : vector<16xf32>
      %mul3A_112 = arith.constant 16 : i32
      %mul3A_113 = arith.muli %scan3A_101, %mul3A_112 : i32
      %add3A_114 = arith.constant 1280 : i32
      %add3A_115 = arith.addi %add3A_114, %mul3A_113 : i32
      %get3A_116 = arith.index_cast %add3A_115 : i32 to index
      %get3A_117 = tpu.vector_load %arg5[%get3A_116] {strides = array<i32>} : memref<10240xf32, #tpu.memory_space<vmem>>, vector<16xf32>,
      %add3A_118 = arith.addf %add3A_111, %get3A_117 : vector<16xf32>
      %mul3A_119 = arith.constant 16 : i32
      %mul3A_120 = arith.muli %scan3A_101, %mul3A_119 : i32
      %add3A_121 = arith.constant 1920 : i32
      %add3A_122 = arith.addi %add3A_121, %mul3A_120 : i32
      %get3A_123 = arith.index_cast %add3A_122 : i32 to index
      %get3A_124 = tpu.vector_load %arg5[%get3A_123] {strides = array<i32>} : memref<10240xf32, #tpu.memory_space<vmem>>, vector<16xf32>,
      %add3A_125 = arith.addf %add3A_118, %get3A_124 : vector<16xf32>
      %mul3A_126 = arith.constant 16 : i32
      %mul3A_127 = arith.muli %scan3A_101, %mul3A_126 : i32
      %add3A_128 = arith.constant 2560 : i32
      %add3A_129 = arith.addi %add3A_128, %mul3A_127 : i32
      %get3A_130 = arith.index_cast %add3A_129 : i32 to index
      %get3A_131 = tpu.vector_load %arg5[%get3A_130] {strides = array<i32>} : memref<10240xf32, #tpu.memory_space<vmem>>, vector<16xf32>,
      %add3A_132 = arith.addf %add3A_125, %get3A_131 : vector<16xf32>
      %mul3A_133 = arith.constant 16 : i32
      %mul3A_134 = arith.muli %scan3A_101, %mul3A_133 : i32
      %add3A_135 = arith.constant 3200 : i32
      %add3A_136 = arith.addi %add3A_135, %mul3A_134 : i32
      %get3A_137 = arith.index_cast %add3A_136 : i32 to index
      %get3A_138 = tpu.vector_load %arg5[%get3A_137] {strides = array<i32>} : memref<10240xf32, #tpu.memory_space<vmem>>, vector<16xf32>,
      %add3A_139 = arith.addf %add3A_132, %get3A_138 : vector<16xf32>
      %mul3A_140 = arith.constant 16 : i32
      %mul3A_141 = arith.muli %scan3A_101, %mul3A_140 : i32
      %add3A_142 = arith.constant 3840 : i32
      %add3A_143 = arith.addi %add3A_142, %mul3A_141 : i32
      %get3A_144 = arith.index_cast %add3A_143 : i32 to index
      %get3A_145 = tpu.vector_load %arg5[%get3A_144] {strides = array<i32>} : memref<10240xf32, #tpu.memory_space<vmem>>, vector<16xf32>,
      %add3A_146 = arith.addf %add3A_139, %get3A_145 : vector<16xf32>
      %mul3A_147 = arith.constant 16 : i32
      %mul3A_148 = arith.muli %scan3A_101, %mul3A_147 : i32
      %add3A_149 = arith.constant 4480 : i32
      %add3A_150 = arith.addi %add3A_149, %mul3A_148 : i32
      %get3A_151 = arith.index_cast %add3A_150 : i32 to index
      %get3A_152 = tpu.vector_load %arg5[%get3A_151] {strides = array<i32>} : memref<10240xf32, #tpu.memory_space<vmem>>, vector<16xf32>,
      %add3A_153 = arith.addf %add3A_146, %get3A_152 : vector<16xf32>
      %mul3A_154 = arith.constant 16 : i32
      %mul3A_155 = arith.muli %scan3A_101, %mul3A_154 : i32
      %add3A_156 = arith.constant 5120 : i32
      %add3A_157 = arith.addi %add3A_156, %mul3A_155 : i32
      %get3A_158 = arith.index_cast %add3A_157 : i32 to index
      %get3A_159 = tpu.vector_load %arg5[%get3A_158] {strides = array<i32>} : memref<10240xf32, #tpu.memory_space<vmem>>, vector<16xf32>,
      %add3A_160 = arith.addf %add3A_153, %get3A_159 : vector<16xf32>
      %mul3A_161 = arith.constant 16 : i32
      %mul3A_162 = arith.muli %scan3A_101, %mul3A_161 : i32
      %add3A_163 = arith.constant 5760 : i32
      %add3A_164 = arith.addi %add3A_163, %mul3A_162 : i32
      %get3A_165 = arith.index_cast %add3A_164 : i32 to index
      %get3A_166 = tpu.vector_load %arg5[%get3A_165] {strides = array<i32>} : memref<10240xf32, #tpu.memory_space<vmem>>, vector<16xf32>,
      %add3A_167 = arith.addf %add3A_160, %get3A_166 : vector<16xf32>
      %mul3A_168 = arith.constant 16 : i32
      %mul3A_169 = arith.muli %scan3A_101, %mul3A_168 : i32
      %add3A_170 = arith.constant 6400 : i32
      %add3A_171 = arith.addi %add3A_170, %mul3A_169 : i32
      %get3A_172 = arith.index_cast %add3A_171 : i32 to index
      %get3A_173 = tpu.vector_load %arg5[%get3A_172] {strides = array<i32>} : memref<10240xf32, #tpu.memory_space<vmem>>, vector<16xf32>,
      %add3A_174 = arith.addf %add3A_167, %get3A_173 : vector<16xf32>
      %mul3A_175 = arith.constant 16 : i32
      %mul3A_176 = arith.muli %scan3A_101, %mul3A_175 : i32
      %add3A_177 = arith.constant 7040 : i32
      %add3A_178 = arith.addi %add3A_177, %mul3A_176 : i32
      %get3A_179 = arith.index_cast %add3A_178 : i32 to index
      %get3A_180 = tpu.vector_load %arg5[%get3A_179] {strides = array<i32>} : memref<10240xf32, #tpu.memory_space<vmem>>, vector<16xf32>,
      %add3A_181 = arith.addf %add3A_174, %get3A_180 : vector<16xf32>
      %mul3A_182 = arith.constant 16 : i32
      %mul3A_183 = arith.muli %scan3A_101, %mul3A_182 : i32
      %add3A_184 = arith.constant 7680 : i32
      %add3A_185 = arith.addi %add3A_184, %mul3A_183 : i32
      %get3A_186 = arith.index_cast %add3A_185 : i32 to index
      %get3A_187 = tpu.vector_load %arg5[%get3A_186] {strides = array<i32>} : memref<10240xf32, #tpu.memory_space<vmem>>, vector<16xf32>,
      %add3A_188 = arith.addf %add3A_181, %get3A_187 : vector<16xf32>
      %mul3A_189 = arith.constant 16 : i32
      %mul3A_190 = arith.muli %scan3A_101, %mul3A_189 : i32
      %add3A_191 = arith.constant 8320 : i32
      %add3A_192 = arith.addi %add3A_191, %mul3A_190 : i32
      %get3A_193 = arith.index_cast %add3A_192 : i32 to index
      %get3A_194 = tpu.vector_load %arg5[%get3A_193] {strides = array<i32>} : memref<10240xf32, #tpu.memory_space<vmem>>, vector<16xf32>,
      %add3A_195 = arith.addf %add3A_188, %get3A_194 : vector<16xf32>
      %mul3A_196 = arith.constant 16 : i32
      %mul3A_197 = arith.muli %scan3A_101, %mul3A_196 : i32
      %add3A_198 = arith.constant 8960 : i32
      %add3A_199 = arith.addi %add3A_198, %mul3A_197 : i32
      %get3A_200 = arith.index_cast %add3A_199 : i32 to index
      %get3A_201 = tpu.vector_load %arg5[%get3A_200] {strides = array<i32>} : memref<10240xf32, #tpu.memory_space<vmem>>, vector<16xf32>,
      %add3A_202 = arith.addf %add3A_195, %get3A_201 : vector<16xf32>
      %mul3A_203 = arith.constant 16 : i32
      %mul3A_204 = arith.muli %scan3A_101, %mul3A_203 : i32
      %add3A_205 = arith.constant 9600 : i32
      %add3A_206 = arith.addi %add3A_205, %mul3A_204 : i32
      %get3A_207 = arith.index_cast %add3A_206 : i32 to index
      %get3A_208 = tpu.vector_load %arg5[%get3A_207] {strides = array<i32>} : memref<10240xf32, #tpu.memory_space<vmem>>, vector<16xf32>,
      %add3A_209 = arith.addf %add3A_202, %get3A_208 : vector<16xf32>
      %mul3A_210 = arith.constant 16 : i32
      %mul3A_211 = arith.muli %scan3A_101, %mul3A_210 : i32
      %swap3A = arith.index_cast %mul3A_211 : i32 to index
      %swap3A_212 = tpu.vector_load %arg6[%swap3A] {strides = array<i32>} : memref<640xf32, #tpu.memory_space<vmem>>, vector<16xf32>,
      tpu.vector_store %arg6[%swap3A], %add3A_209 {strides = array<i32>} : memref<640xf32, #tpu.memory_space<vmem>>, vector<16xf32>,
    }
    %scan3A_95 = arith.constant 40 : i32
    "tpu.region"() ({
      %run_scoped3A = tpu.sem_alloc : memref<!tpu.dma_semaphore, #tpu.memory_space<semaphore_mem>>
      %dma_start3A = arith.constant 0 : i32
      %dma_start3A_101 = tpu.memref_slice %arg8[%arg1, %dma_start3A] : memref<16x640xf32, #tpu.memory_space<vmem_shared>> -> memref<1x640xf32, #tpu.memory_space<vmem_shared>>
      %dma_start3A_102 = tpu.memref_squeeze %dma_start3A_101 : memref<1x640xf32, #tpu.memory_space<vmem_shared>> -> memref<640xf32, #tpu.memory_space<vmem_shared>>
      %dma_start3A_103 = arith.constant 0 : i32
      %dma_start3A_104 = tpu.memref_slice %arg8[%arg1, %dma_start3A_103] : memref<16x640xf32, #tpu.memory_space<vmem_shared>> -> memref<1x640xf32, #tpu.memory_space<vmem_shared>>
      %dma_start3A_105 = tpu.memref_squeeze %dma_start3A_104 : memref<1x640xf32, #tpu.memory_space<vmem_shared>> -> memref<640xf32, #tpu.memory_space<vmem_shared>>
      tpu.enqueue_dma source(%arg6 : memref<640xf32, #tpu.memory_space<vmem>>) target(%dma_start3A_105 : memref<640xf32, #tpu.memory_space<vmem_shared>>) target_semaphore(%run_scoped3A : memref<!tpu.dma_semaphore, #tpu.memory_space<semaphore_mem>>)
      %dma_wait3A = arith.constant 0 : i32
      %dma_wait3A_106 = tpu.memref_slice %arg8[%arg1, %dma_wait3A] : memref<16x640xf32, #tpu.memory_space<vmem_shared>> -> memref<1x640xf32, #tpu.memory_space<vmem_shared>>
      %dma_wait3A_107 = tpu.memref_squeeze %dma_wait3A_106 : memref<1x640xf32, #tpu.memory_space<vmem_shared>> -> memref<640xf32, #tpu.memory_space<vmem_shared>>
      %dma_wait3A_108 = arith.constant 0 : i32
      %dma_wait3A_109 = tpu.memref_slice %arg8[%arg1, %dma_wait3A_108] : memref<16x640xf32, #tpu.memory_space<vmem_shared>> -> memref<1x640xf32, #tpu.memory_space<vmem_shared>>
      %dma_wait3A_110 = tpu.memref_squeeze %dma_wait3A_109 : memref<1x640xf32, #tpu.memory_space<vmem_shared>> -> memref<640xf32, #tpu.memory_space<vmem_shared>>
      tpu.wait_dma2 semaphore(%run_scoped3A : memref<!tpu.dma_semaphore, #tpu.memory_space<semaphore_mem>>) src(%arg6 : memref<640xf32, #tpu.memory_space<vmem>>) dst(%dma_wait3A_110 : memref<640xf32, #tpu.memory_space<vmem_shared>>)
      tpu.yield
    }) : () -> ()
    %barrier3A = arith.constant 0 : index
    tpu.barrier barrier_id(%barrier3A)
    %eq3A_96 = arith.constant 0 : i32
    %eq3A_97 = arith.cmpi eq, %arg1, %eq3A_96 : i32
    %eq3A_98 = arith.constant 8 : i32
    %eq3A_99 = arith.cmpi eq, %arg1, %eq3A_98 : i32
    %or3A = arith.ori %eq3A_97, %eq3A_99 : i1
    %convert_element_type3A = arith.extui %or3A : i1 to i32
    %cond3A = arith.constant 0 : i32
    %cond3A_100 = arith.cmpi ne, %convert_element_type3A, %cond3A : i32
    scf.if %cond3A_100 {
      %jit3A_101 = arith.constant 8 : i32
      %div3A_102 = arith.divsi %arg1, %jit3A_101 : i32
      %sign3A_103 = arith.constant 0 : i32
      %sign3A_104 = arith.cmpi sgt, %arg1, %sign3A_103 : i32
      %sign3A_105 = arith.extui %sign3A_104 : i1 to i32
      %sign3A_106 = arith.constant 0 : i32
      %sign3A_107 = arith.cmpi slt, %arg1, %sign3A_106 : i32
      %sign3A_108 = arith.extui %sign3A_107 : i1 to i32
      %sign3A_109 = arith.subi %sign3A_105, %sign3A_108 : i32
      %sign3A_110 = arith.constant 0 : i32
      %sign3A_111 = arith.cmpi sgt, %jit3A_101, %sign3A_110 : i32
      %sign3A_112 = arith.extui %sign3A_111 : i1 to i32
      %sign3A_113 = arith.constant 0 : i32
      %sign3A_114 = arith.cmpi slt, %jit3A_101, %sign3A_113 : i32
      %sign3A_115 = arith.extui %sign3A_114 : i1 to i32
      %sign3A_116 = arith.subi %sign3A_112, %sign3A_115 : i32
      %ne3A_117 = arith.cmpi ne, %sign3A_109, %sign3A_116 : i32
      %rem3A_118 = arith.remsi %arg1, %jit3A_101 : i32
      %ne3A_119 = arith.constant 0 : i32
      %ne3A_120 = arith.cmpi ne, %rem3A_118, %ne3A_119 : i32
      %and3A_121 = arith.andi %ne3A_117, %ne3A_120 : i1
      %sub3A_122 = arith.constant 1 : i32
      %sub3A_123 = arith.subi %div3A_102, %sub3A_122 : i32
      %select_n3A_124 = arith.select %and3A_121, %sub3A_123, %div3A_102 : i32
      %mul3A_125 = arith.constant 8 : i32
      %mul3A_126 = arith.muli %select_n3A_124, %mul3A_125 : i32
      "tpu.region"() ({
        %run_scoped3A = tpu.sem_alloc : memref<!tpu.dma_semaphore, #tpu.memory_space<semaphore_mem>>
        %dma_start3A = arith.constant 0 : i32
        %dma_start3A_172 = tpu.memref_slice %arg8[%mul3A_126, %dma_start3A] : memref<16x640xf32, #tpu.memory_space<vmem_shared>> -> memref<8x640xf32, #tpu.memory_space<vmem_shared>>
        %dma_start3A_173 = arith.constant 0 : i32
        %dma_start3A_174 = tpu.memref_slice %arg8[%mul3A_126, %dma_start3A_173] : memref<16x640xf32, #tpu.memory_space<vmem_shared>> -> memref<8x640xf32, #tpu.memory_space<vmem_shared>>
        tpu.enqueue_dma source(%dma_start3A_174 : memref<8x640xf32, #tpu.memory_space<vmem_shared>>) target(%arg7 : memref<8x640xf32, #tpu.memory_space<vmem>>) target_semaphore(%run_scoped3A : memref<!tpu.dma_semaphore, #tpu.memory_space<semaphore_mem>>)
        %dma_wait3A = arith.constant 0 : i32
        %dma_wait3A_175 = tpu.memref_slice %arg8[%mul3A_126, %dma_wait3A] : memref<16x640xf32, #tpu.memory_space<vmem_shared>> -> memref<8x640xf32, #tpu.memory_space<vmem_shared>>
        %dma_wait3A_176 = arith.constant 0 : i32
        %dma_wait3A_177 = tpu.memref_slice %arg8[%mul3A_126, %dma_wait3A_176] : memref<16x640xf32, #tpu.memory_space<vmem_shared>> -> memref<8x640xf32, #tpu.memory_space<vmem_shared>>
        tpu.wait_dma2 semaphore(%run_scoped3A : memref<!tpu.dma_semaphore, #tpu.memory_space<semaphore_mem>>) src(%dma_wait3A_177 : memref<8x640xf32, #tpu.memory_space<vmem_shared>>) dst(%arg7 : memref<8x640xf32, #tpu.memory_space<vmem>>)
        tpu.yield
      }) : () -> ()
      %broadcast_in_dim3A_127 = arith.constant 0.000000e+00 : f32
      %broadcast_in_dim3A_128 = vector.broadcast %broadcast_in_dim3A_127 : f32 to vector<16xf32>
      %scan3A_129 = arith.constant 0 : i32
      %scan3A_130 = arith.constant 40 : i32
      %scan3A_131 = arith.addi %scan3A_129, %scan3A_130 : i32
      %scan3A_132 = arith.constant 1 : i32
      %scan3A_133 = scf.for %scan3A_172 = %scan3A_129 to %scan3A_131 step %scan3A_132 iter_args(%scan3A_173 = %broadcast_in_dim3A_128) -> (vector<16xf32>)  : i32 {
        %mul3A_174 = arith.constant 16 : i32
        %mul3A_175 = arith.muli %scan3A_172, %mul3A_174 : i32
        %get3A = arith.constant 0 : i32
        %get3A_176 = arith.index_cast %get3A : i32 to index
        %get3A_177 = arith.index_cast %mul3A_175 : i32 to index
        %get3A_178 = tpu.vector_load %arg7[%get3A_176, %get3A_177] {strides = array<i32>} : memref<8x640xf32, #tpu.memory_space<vmem>>, vector<16xf32>,
        %mul3A_179 = arith.constant 16 : i32
        %mul3A_180 = arith.muli %scan3A_172, %mul3A_179 : i32
        %get3A_181 = arith.constant 1 : i32
        %get3A_182 = arith.index_cast %get3A_181 : i32 to index
        %get3A_183 = arith.index_cast %mul3A_180 : i32 to index
        %get3A_184 = tpu.vector_load %arg7[%get3A_182, %get3A_183] {strides = array<i32>} : memref<8x640xf32, #tpu.memory_space<vmem>>, vector<16xf32>,
        %add3A_185 = arith.addf %get3A_178, %get3A_184 : vector<16xf32>
        %mul3A_186 = arith.constant 16 : i32
        %mul3A_187 = arith.muli %scan3A_172, %mul3A_186 : i32
        %get3A_188 = arith.constant 2 : i32
        %get3A_189 = arith.index_cast %get3A_188 : i32 to index
        %get3A_190 = arith.index_cast %mul3A_187 : i32 to index
        %get3A_191 = tpu.vector_load %arg7[%get3A_189, %get3A_190] {strides = array<i32>} : memref<8x640xf32, #tpu.memory_space<vmem>>, vector<16xf32>,
        %add3A_192 = arith.addf %add3A_185, %get3A_191 : vector<16xf32>
        %mul3A_193 = arith.constant 16 : i32
        %mul3A_194 = arith.muli %scan3A_172, %mul3A_193 : i32
        %get3A_195 = arith.constant 3 : i32
        %get3A_196 = arith.index_cast %get3A_195 : i32 to index
        %get3A_197 = arith.index_cast %mul3A_194 : i32 to index
        %get3A_198 = tpu.vector_load %arg7[%get3A_196, %get3A_197] {strides = array<i32>} : memref<8x640xf32, #tpu.memory_space<vmem>>, vector<16xf32>,
        %add3A_199 = arith.addf %add3A_192, %get3A_198 : vector<16xf32>
        %mul3A_200 = arith.constant 16 : i32
        %mul3A_201 = arith.muli %scan3A_172, %mul3A_200 : i32
        %get3A_202 = arith.constant 4 : i32
        %get3A_203 = arith.index_cast %get3A_202 : i32 to index
        %get3A_204 = arith.index_cast %mul3A_201 : i32 to index
        %get3A_205 = tpu.vector_load %arg7[%get3A_203, %get3A_204] {strides = array<i32>} : memref<8x640xf32, #tpu.memory_space<vmem>>, vector<16xf32>,
        %add3A_206 = arith.addf %add3A_199, %get3A_205 : vector<16xf32>
        %mul3A_207 = arith.constant 16 : i32
        %mul3A_208 = arith.muli %scan3A_172, %mul3A_207 : i32
        %get3A_209 = arith.constant 5 : i32
        %get3A_210 = arith.index_cast %get3A_209 : i32 to index
        %get3A_211 = arith.index_cast %mul3A_208 : i32 to index
        %get3A_212 = tpu.vector_load %arg7[%get3A_210, %get3A_211] {strides = array<i32>} : memref<8x640xf32, #tpu.memory_space<vmem>>, vector<16xf32>,
        %add3A_213 = arith.addf %add3A_206, %get3A_212 : vector<16xf32>
        %mul3A_214 = arith.constant 16 : i32
        %mul3A_215 = arith.muli %scan3A_172, %mul3A_214 : i32
        %get3A_216 = arith.constant 6 : i32
        %get3A_217 = arith.index_cast %get3A_216 : i32 to index
        %get3A_218 = arith.index_cast %mul3A_215 : i32 to index
        %get3A_219 = tpu.vector_load %arg7[%get3A_217, %get3A_218] {strides = array<i32>} : memref<8x640xf32, #tpu.memory_space<vmem>>, vector<16xf32>,
        %add3A_220 = arith.addf %add3A_213, %get3A_219 : vector<16xf32>
        %mul3A_221 = arith.constant 16 : i32
        %mul3A_222 = arith.muli %scan3A_172, %mul3A_221 : i32
        %get3A_223 = arith.constant 7 : i32
        %get3A_224 = arith.index_cast %get3A_223 : i32 to index
        %get3A_225 = arith.index_cast %mul3A_222 : i32 to index
        %get3A_226 = tpu.vector_load %arg7[%get3A_224, %get3A_225] {strides = array<i32>} : memref<8x640xf32, #tpu.memory_space<vmem>>, vector<16xf32>,
        %add3A_227 = arith.addf %add3A_220, %get3A_226 : vector<16xf32>
        %mul3A_228 = arith.constant 16 : i32
        %mul3A_229 = arith.muli %scan3A_172, %mul3A_228 : i32
        %swap3A_230 = arith.index_cast %mul3A_229 : i32 to index
        %swap3A_231 = tpu.vector_load %arg6[%swap3A_230] {strides = array<i32>} : memref<640xf32, #tpu.memory_space<vmem>>, vector<16xf32>,
        tpu.vector_store %arg6[%swap3A_230], %add3A_227 {strides = array<i32>} : memref<640xf32, #tpu.memory_space<vmem>>, vector<16xf32>,
        %add3A_232 = arith.addf %scan3A_173, %add3A_227 : vector<16xf32>
        scf.yield %add3A_232 : vector<16xf32>
      }
      %scan3A_134 = arith.constant 40 : i32
      %reduce_sum3A = arith.constant true
      %reduce_sum3A_135 = vector.broadcast %reduce_sum3A : i1 to vector<16xi1>
      %reduce_sum3A_136 = tpu.scan <sum>, %scan3A_133 masked %reduce_sum3A_135 : vector<16xf32>, vector<16xi1> -> vector<16xf32>
      %reduce_sum3A_137 = vector.extract %reduce_sum3A_136[15] : f32 from vector<16xf32>
      %mul3A_138 = arith.constant 1.22070313E-4 : f32
      %mul3A_139 = arith.mulf %reduce_sum3A_137, %mul3A_138 : f32
      %add3A_140 = arith.constant 9.99999974E-6 : f32
      %add3A_141 = arith.addf %mul3A_139, %add3A_140 : f32
      %broadcast_in_dim3A_142 = vector.broadcast %add3A_141 : f32 to vector<16xf32>
      %div3A_143 = arith.constant 1.000000e+00 : f32
      %div3A_144 = vector.broadcast %div3A_143 : f32 to vector<16xf32>
      %div3A_145 = arith.divf %div3A_144, %broadcast_in_dim3A_142 : vector<16xf32>
      %broadcast_in_dim3A_146 = arith.constant 0.000000e+00 : f32
      %broadcast_in_dim3A_147 = vector.broadcast %broadcast_in_dim3A_146 : f32 to vector<16xf32>
      %scan3A_148 = arith.constant 1.22070313E-4 : f32
      %scan3A_149 = arith.constant 0.693147182 : f32
      %scan3A_150 = arith.constant 0 : i32
      %scan3A_151 = arith.constant 40 : i32
      %scan3A_152 = arith.addi %scan3A_150, %scan3A_151 : i32
      %scan3A_153 = arith.constant 1 : i32
      %scan3A_154 = scf.for %scan3A_172 = %scan3A_150 to %scan3A_152 step %scan3A_153 iter_args(%scan3A_173 = %broadcast_in_dim3A_147) -> (vector<16xf32>)  : i32 {
        %mul3A_174 = arith.constant 16 : i32
        %mul3A_175 = arith.muli %scan3A_172, %mul3A_174 : i32
        %get3A = arith.index_cast %mul3A_175 : i32 to index
        %get3A_176 = tpu.vector_load %arg6[%get3A] {strides = array<i32>} : memref<640xf32, #tpu.memory_space<vmem>>, vector<16xf32>,
        %mul3A_177 = vector.broadcast %scan3A_148 : f32 to vector<16xf32>
        %mul3A_178 = arith.mulf %get3A_176, %mul3A_177 : vector<16xf32>
        %mul3A_179 = arith.mulf %mul3A_178, %div3A_145 : vector<16xf32>
        %add3A_180 = arith.constant 9.99999974E-6 : f32
        %add3A_181 = vector.broadcast %add3A_180 : f32 to vector<16xf32>
        %add3A_182 = arith.addf %mul3A_179, %add3A_181 : vector<16xf32>
        %bitcast3A = vector.bitcast %add3A_182 : vector<16xf32> to vector<16xi32>
        %shift_right_arithmetic3A = arith.constant 23 : i32
        %shift_right_arithmetic3A_183 = vector.broadcast %shift_right_arithmetic3A : i32 to vector<16xi32>
        %shift_right_arithmetic3A_184 = arith.shrsi %bitcast3A, %shift_right_arithmetic3A_183 : vector<16xi32>
        %and3A_185 = arith.constant 255 : i32
        %and3A_186 = vector.broadcast %and3A_185 : i32 to vector<16xi32>
        %and3A_187 = arith.andi %shift_right_arithmetic3A_184, %and3A_186 : vector<16xi32>
        %sub3A_188 = arith.constant 127 : i32
        %sub3A_189 = vector.broadcast %sub3A_188 : i32 to vector<16xi32>
        %sub3A_190 = arith.subi %and3A_187, %sub3A_189 : vector<16xi32>
        %and3A_191 = arith.constant 8388607 : i32
        %and3A_192 = vector.broadcast %and3A_191 : i32 to vector<16xi32>
        %and3A_193 = arith.andi %bitcast3A, %and3A_192 : vector<16xi32>
        %or3A_194 = arith.constant 1065353216 : i32
        %or3A_195 = vector.broadcast %or3A_194 : i32 to vector<16xi32>
        %or3A_196 = arith.ori %and3A_193, %or3A_195 : vector<16xi32>
        %bitcast3A_197 = vector.bitcast %or3A_196 : vector<16xi32> to vector<16xf32>
        %sub3A_198 = arith.constant 1.000000e+00 : f32
        %sub3A_199 = vector.broadcast %sub3A_198 : f32 to vector<16xf32>
        %sub3A_200 = arith.subf %bitcast3A_197, %sub3A_199 : vector<16xf32>
        %add3A_201 = arith.constant 1.000000e+00 : f32
        %add3A_202 = vector.broadcast %add3A_201 : f32 to vector<16xf32>
        %add3A_203 = arith.addf %bitcast3A_197, %add3A_202 : vector<16xf32>
        %div3A_204 = arith.divf %sub3A_200, %add3A_203 : vector<16xf32>
        %mul3A_205 = arith.mulf %div3A_204, %div3A_204 : vector<16xf32>
        %mul3A_206 = arith.constant 0.111111112 : f32
        %mul3A_207 = vector.broadcast %mul3A_206 : f32 to vector<16xf32>
        %mul3A_208 = arith.mulf %mul3A_205, %mul3A_207 : vector<16xf32>
        %add3A_209 = arith.constant 0.142857149 : f32
        %add3A_210 = vector.broadcast %add3A_209 : f32 to vector<16xf32>
        %add3A_211 = arith.addf %add3A_210, %mul3A_208 : vector<16xf32>
        %mul3A_212 = arith.mulf %mul3A_205, %add3A_211 : vector<16xf32>
        %add3A_213 = arith.constant 2.000000e-01 : f32
        %add3A_214 = vector.broadcast %add3A_213 : f32 to vector<16xf32>
        %add3A_215 = arith.addf %add3A_214, %mul3A_212 : vector<16xf32>
        %mul3A_216 = arith.mulf %mul3A_205, %add3A_215 : vector<16xf32>
        %add3A_217 = arith.constant 0.333333343 : f32
        %add3A_218 = vector.broadcast %add3A_217 : f32 to vector<16xf32>
        %add3A_219 = arith.addf %add3A_218, %mul3A_216 : vector<16xf32>
        %mul3A_220 = arith.mulf %mul3A_205, %add3A_219 : vector<16xf32>
        %add3A_221 = arith.constant 1.000000e+00 : f32
        %add3A_222 = vector.broadcast %add3A_221 : f32 to vector<16xf32>
        %add3A_223 = arith.addf %add3A_222, %mul3A_220 : vector<16xf32>
        %mul3A_224 = arith.mulf %div3A_204, %add3A_223 : vector<16xf32>
        %convert_element_type3A_225 = arith.sitofp %sub3A_190 : vector<16xi32> to vector<16xf32>
        %mul3A_226 = vector.broadcast %scan3A_149 : f32 to vector<16xf32>
        %mul3A_227 = arith.mulf %convert_element_type3A_225, %mul3A_226 : vector<16xf32>
        %mul3A_228 = arith.constant 2.000000e+00 : f32
        %mul3A_229 = vector.broadcast %mul3A_228 : f32 to vector<16xf32>
        %mul3A_230 = arith.mulf %mul3A_229, %mul3A_224 : vector<16xf32>
        %add3A_231 = arith.addf %mul3A_227, %mul3A_230 : vector<16xf32>
        %mul3A_232 = arith.mulf %mul3A_179, %add3A_231 : vector<16xf32>
        %add3A_233 = arith.addf %scan3A_173, %mul3A_232 : vector<16xf32>
        scf.yield %add3A_233 : vector<16xf32>
      }
      %scan3A_155 = arith.constant 40 : i32
      %reduce_sum3A_156 = arith.constant true
      %reduce_sum3A_157 = vector.broadcast %reduce_sum3A_156 : i1 to vector<16xi1>
      %reduce_sum3A_158 = tpu.scan <sum>, %scan3A_154 masked %reduce_sum3A_157 : vector<16xf32>, vector<16xi1> -> vector<16xf32>
      %reduce_sum3A_159 = vector.extract %reduce_sum3A_158[15] : f32 from vector<16xf32>
      %neg3A = arith.constant 0.000000e+00 : f32
      %neg3A_160 = arith.subf %neg3A, %reduce_sum3A_159 : f32
      %broadcast_in_dim3A_161 = vector.broadcast %neg3A_160 : f32 to vector<16xf32>
      %exp3A = math.exp %broadcast_in_dim3A_161 : vector<16xf32>
      %iota3A_162 = tpu.iota {dimensions = array<i32: 0>} : vector<16xi32>
      %eq3A_163 = arith.constant 0 : i32
      %eq3A_164 = vector.broadcast %eq3A_163 : i32 to vector<16xi32>
      %eq3A_165 = arith.cmpi eq, %iota3A_162, %eq3A_164 : vector<16xi32>
      %jit3A_166 = arith.constant 0.000000e+00 : f32
      %broadcast_in_dim3A_167 = vector.broadcast %jit3A_166 : f32 to vector<16xf32>
      %select_n3A_168 = arith.select %eq3A_165, %exp3A, %broadcast_in_dim3A_167 : vector<16xi1>, vector<16xf32>
      %swap3A = arith.constant 0 : index
      %swap3A_169 = tpu.vector_load %arg6[%swap3A] {strides = array<i32>} : memref<640xf32, #tpu.memory_space<vmem>>, vector<16xf32>,
      tpu.vector_store %arg6[%swap3A], %select_n3A_168 {strides = array<i32>} : memref<640xf32, #tpu.memory_space<vmem>>, vector<16xf32>,
      %mul3A_170 = arith.constant 16 : i32
      %mul3A_171 = arith.muli %select_n3A, %mul3A_170 : i32
      "tpu.region"() ({
        %run_scoped3A = tpu.sem_alloc : memref<!tpu.dma_semaphore, #tpu.memory_space<semaphore_mem>>
        %dma_start3A = arith.constant 0 : i32
        %dma_start3A_172 = tpu.memref_slice %arg6[%dma_start3A] : memref<640xf32, #tpu.memory_space<vmem>> -> memref<16xf32, #tpu.memory_space<vmem>>
        %dma_start3A_173 = tpu.memref_slice %arg3[%mul3A_171] : memref<64xf32, #tpu.memory_space<hbm>> -> memref<16xf32, #tpu.memory_space<hbm>>
        %dma_start3A_174 = tpu.memref_slice %arg3[%mul3A_171] : memref<64xf32, #tpu.memory_space<hbm>> -> memref<16xf32, #tpu.memory_space<hbm>>
        %dma_start3A_175 = arith.constant 0 : i32
        %dma_start3A_176 = tpu.memref_slice %arg6[%dma_start3A_175] : memref<640xf32, #tpu.memory_space<vmem>> -> memref<16xf32, #tpu.memory_space<vmem>>
        tpu.enqueue_dma source(%dma_start3A_176 : memref<16xf32, #tpu.memory_space<vmem>>) target(%dma_start3A_174 : memref<16xf32, #tpu.memory_space<hbm>>) target_semaphore(%run_scoped3A : memref<!tpu.dma_semaphore, #tpu.memory_space<semaphore_mem>>)
        %dma_wait3A = arith.constant 0 : i32
        %dma_wait3A_177 = tpu.memref_slice %arg6[%dma_wait3A] : memref<640xf32, #tpu.memory_space<vmem>> -> memref<16xf32, #tpu.memory_space<vmem>>
        %dma_wait3A_178 = tpu.memref_slice %arg3[%mul3A_171] : memref<64xf32, #tpu.memory_space<hbm>> -> memref<16xf32, #tpu.memory_space<hbm>>
        %dma_wait3A_179 = tpu.memref_slice %arg3[%mul3A_171] : memref<64xf32, #tpu.memory_space<hbm>> -> memref<16xf32, #tpu.memory_space<hbm>>
        %dma_wait3A_180 = arith.constant 0 : i32
        %dma_wait3A_181 = tpu.memref_slice %arg6[%dma_wait3A_180] : memref<640xf32, #tpu.memory_space<vmem>> -> memref<16xf32, #tpu.memory_space<vmem>>
        tpu.wait_dma2 semaphore(%run_scoped3A : memref<!tpu.dma_semaphore, #tpu.memory_space<semaphore_mem>>) src(%dma_wait3A_181 : memref<16xf32, #tpu.memory_space<vmem>>) dst(%dma_wait3A_179 : memref<16xf32, #tpu.memory_space<hbm>>)
        tpu.yield
      }) : () -> ()
    } else {
    }
    return
  }
}

module attributes {stable_mosaic.version = 14 : i64} {
  func.func @_quant_tc_body(%arg0: i32, %arg1: i32, %arg2: memref<1x1024x2048xf32, #tpu.memory_space<vmem>>, %arg3: memref<2x4x512xf32, #tpu.memory_space<vmem>>, %arg4: memref<2x4x1xf32, #tpu.memory_space<vmem>>, %arg5: memref<1x4x2048xi32, #tpu.memory_space<vmem>>, %arg6: memref<1x8x2048xf32, #tpu.memory_space<vmem>>) attributes {dimension_semantics = [#tpu.dimension_semantics<arbitrary>, #tpu.dimension_semantics<arbitrary>], iteration_bounds = array<i64: 4, 1>, scalar_prefetch = 0 : i64, scratch_operands = 0 : i64, tpu.core_type = #tpu.core_type<tc>, window_params = [{transform_indices = @transform_0, window_bounds = array<i64: 1, 1024, 2048>}, {pipeline_mode = #tpu.pipeline_mode<synchronous>, transform_indices = @transform_1, window_bounds = array<i64: 2, 4, 512>}, {pipeline_mode = #tpu.pipeline_mode<synchronous>, transform_indices = @transform_2, window_bounds = array<i64: 2, 4, 1>}, {transform_indices = @transform_3, window_bounds = array<i64: 1, 4, 2048>}, {transform_indices = @transform_4, window_bounds = array<i64: 1, 8, 2048>}]} {
    %get3A = arith.constant 0 : index
    %get3A_0 = arith.constant 0 : index
    %get3A_1 = arith.constant 0 : index
    %get3A_2 = vector.load %arg2[%get3A, %get3A_0, %get3A_1] : memref<1x1024x2048xf32, #tpu.memory_space<vmem>>, vector<1x512x2048xf32>
    %get3A_3 = vector.shape_cast %get3A_2 : vector<1x512x2048xf32> to vector<512x2048xf32>
    %get3A_4 = arith.constant 0 : index
    %get3A_5 = arith.constant 0 : index
    %get3A_6 = arith.constant 0 : index
    %get3A_7 = vector.load %arg3[%get3A_4, %get3A_5, %get3A_6] : memref<2x4x512xf32, #tpu.memory_space<vmem>>, vector<1x4x512xf32>
    %get3A_8 = vector.shape_cast %get3A_7 : vector<1x4x512xf32> to vector<4x512xf32>
    %dot_general3A = arith.constant dense<0.000000e+00> : vector<4x2048xf32>
    %dot_general3A_9 = tpu.matmul %get3A_8, %get3A_3, %dot_general3A {dimension_numbers = #tpu.dot_dimension_numbers<[1], [0], [0], [1], [0, 0, 1, 1], [], []>, transpose_lhs_hint = false} : vector<4x512xf32>, vector<512x2048xf32>, vector<4x2048xf32> -> vector<4x2048xf32>
    %get3A_10 = arith.constant 0 : index
    %get3A_11 = arith.constant 0 : index
    %get3A_12 = arith.constant 0 : index
    %get3A_13 = vector.load %arg4[%get3A_10, %get3A_11, %get3A_12] : memref<2x4x1xf32, #tpu.memory_space<vmem>>, vector<1x4x1xf32>
    %get3A_14 = vector.shape_cast %get3A_13 : vector<1x4x1xf32> to vector<4x1xf32>
    %add3A = vector.broadcast %get3A_14 : vector<4x1xf32> to vector<4x2048xf32>
    %add3A_15 = arith.addf %dot_general3A_9, %add3A : vector<4x2048xf32>
    %mul3A = arith.constant 1.000000e+00 : f32
    %mul3A_16 = vector.broadcast %mul3A : f32 to vector<4x2048xf32>
    %mul3A_17 = arith.mulf %add3A_15, %mul3A_16 : vector<4x2048xf32>
    %tanh3A = math.tanh %mul3A_17 : vector<4x2048xf32>
    %mul3A_18 = arith.constant 2.002000e+00 : f32
    %mul3A_19 = vector.broadcast %mul3A_18 : f32 to vector<4x2048xf32>
    %mul3A_20 = arith.mulf %tanh3A, %mul3A_19 : vector<4x2048xf32>
    %round3A = math.roundeven %mul3A_20 : vector<4x2048xf32>
    %slice3A = vector.extract_strided_slice %round3A {offsets = [3, 0], sizes = [1, 2048], strides = [1, 1]} : vector<4x2048xf32> to vector<1x2048xf32>
    %squeeze3A = vector.shape_cast %slice3A : vector<1x2048xf32> to vector<2048xf32>
    %mul3A_21 = arith.constant 5.000000e+00 : f32
    %mul3A_22 = vector.broadcast %mul3A_21 : f32 to vector<2048xf32>
    %mul3A_23 = arith.mulf %squeeze3A, %mul3A_22 : vector<2048xf32>
    %slice3A_24 = vector.extract_strided_slice %round3A {offsets = [2, 0], sizes = [1, 2048], strides = [1, 1]} : vector<4x2048xf32> to vector<1x2048xf32>
    %squeeze3A_25 = vector.shape_cast %slice3A_24 : vector<1x2048xf32> to vector<2048xf32>
    %add3A_26 = arith.addf %mul3A_23, %squeeze3A_25 : vector<2048xf32>
    %mul3A_27 = arith.constant 5.000000e+00 : f32
    %mul3A_28 = vector.broadcast %mul3A_27 : f32 to vector<2048xf32>
    %mul3A_29 = arith.mulf %add3A_26, %mul3A_28 : vector<2048xf32>
    %slice3A_30 = vector.extract_strided_slice %round3A {offsets = [1, 0], sizes = [1, 2048], strides = [1, 1]} : vector<4x2048xf32> to vector<1x2048xf32>
    %squeeze3A_31 = vector.shape_cast %slice3A_30 : vector<1x2048xf32> to vector<2048xf32>
    %add3A_32 = arith.addf %mul3A_29, %squeeze3A_31 : vector<2048xf32>
    %mul3A_33 = arith.constant 5.000000e+00 : f32
    %mul3A_34 = vector.broadcast %mul3A_33 : f32 to vector<2048xf32>
    %mul3A_35 = arith.mulf %add3A_32, %mul3A_34 : vector<2048xf32>
    %slice3A_36 = vector.extract_strided_slice %round3A {offsets = [0, 0], sizes = [1, 2048], strides = [1, 1]} : vector<4x2048xf32> to vector<1x2048xf32>
    %squeeze3A_37 = vector.shape_cast %slice3A_36 : vector<1x2048xf32> to vector<2048xf32>
    %add3A_38 = arith.addf %mul3A_35, %squeeze3A_37 : vector<2048xf32>
    %add3A_39 = arith.constant 3.120000e+02 : f32
    %add3A_40 = vector.broadcast %add3A_39 : f32 to vector<2048xf32>
    %add3A_41 = arith.addf %add3A_38, %add3A_40 : vector<2048xf32>
    %mul3A_42 = arith.constant 5.000000e-01 : f32
    %mul3A_43 = vector.broadcast %mul3A_42 : f32 to vector<4x2048xf32>
    %mul3A_44 = arith.mulf %round3A, %mul3A_43 : vector<4x2048xf32>
    %sub3A = arith.subf %add3A_15, %mul3A_44 : vector<4x2048xf32>
    %mul3A_45 = arith.constant 4.000000e+00 : f32
    %mul3A_46 = vector.broadcast %mul3A_45 : f32 to vector<4x2048xf32>
    %mul3A_47 = arith.mulf %sub3A, %mul3A_46 : vector<4x2048xf32>
    %tanh3A_48 = math.tanh %mul3A_47 : vector<4x2048xf32>
    %mul3A_49 = arith.constant 2.002000e+00 : f32
    %mul3A_50 = vector.broadcast %mul3A_49 : f32 to vector<4x2048xf32>
    %mul3A_51 = arith.mulf %tanh3A_48, %mul3A_50 : vector<4x2048xf32>
    %round3A_52 = math.roundeven %mul3A_51 : vector<4x2048xf32>
    %slice3A_53 = vector.extract_strided_slice %round3A_52 {offsets = [3, 0], sizes = [1, 2048], strides = [1, 1]} : vector<4x2048xf32> to vector<1x2048xf32>
    %squeeze3A_54 = vector.shape_cast %slice3A_53 : vector<1x2048xf32> to vector<2048xf32>
    %mul3A_55 = arith.constant 5.000000e+00 : f32
    %mul3A_56 = vector.broadcast %mul3A_55 : f32 to vector<2048xf32>
    %mul3A_57 = arith.mulf %squeeze3A_54, %mul3A_56 : vector<2048xf32>
    %slice3A_58 = vector.extract_strided_slice %round3A_52 {offsets = [2, 0], sizes = [1, 2048], strides = [1, 1]} : vector<4x2048xf32> to vector<1x2048xf32>
    %squeeze3A_59 = vector.shape_cast %slice3A_58 : vector<1x2048xf32> to vector<2048xf32>
    %add3A_60 = arith.addf %mul3A_57, %squeeze3A_59 : vector<2048xf32>
    %mul3A_61 = arith.constant 5.000000e+00 : f32
    %mul3A_62 = vector.broadcast %mul3A_61 : f32 to vector<2048xf32>
    %mul3A_63 = arith.mulf %add3A_60, %mul3A_62 : vector<2048xf32>
    %slice3A_64 = vector.extract_strided_slice %round3A_52 {offsets = [1, 0], sizes = [1, 2048], strides = [1, 1]} : vector<4x2048xf32> to vector<1x2048xf32>
    %squeeze3A_65 = vector.shape_cast %slice3A_64 : vector<1x2048xf32> to vector<2048xf32>
    %add3A_66 = arith.addf %mul3A_63, %squeeze3A_65 : vector<2048xf32>
    %mul3A_67 = arith.constant 5.000000e+00 : f32
    %mul3A_68 = vector.broadcast %mul3A_67 : f32 to vector<2048xf32>
    %mul3A_69 = arith.mulf %add3A_66, %mul3A_68 : vector<2048xf32>
    %slice3A_70 = vector.extract_strided_slice %round3A_52 {offsets = [0, 0], sizes = [1, 2048], strides = [1, 1]} : vector<4x2048xf32> to vector<1x2048xf32>
    %squeeze3A_71 = vector.shape_cast %slice3A_70 : vector<1x2048xf32> to vector<2048xf32>
    %add3A_72 = arith.addf %mul3A_69, %squeeze3A_71 : vector<2048xf32>
    %add3A_73 = arith.constant 3.120000e+02 : f32
    %add3A_74 = vector.broadcast %add3A_73 : f32 to vector<2048xf32>
    %add3A_75 = arith.addf %add3A_72, %add3A_74 : vector<2048xf32>
    %mul3A_76 = arith.constant 1.250000e-01 : f32
    %mul3A_77 = vector.broadcast %mul3A_76 : f32 to vector<4x2048xf32>
    %mul3A_78 = arith.mulf %round3A_52, %mul3A_77 : vector<4x2048xf32>
    %add3A_79 = arith.addf %mul3A_44, %mul3A_78 : vector<4x2048xf32>
    %convert_element_type3A = arith.fptosi %add3A_41 : vector<2048xf32> to vector<2048xi32>
    %swap3A = arith.constant 0 : index
    %swap3A_80 = arith.constant 0 : index
    %swap3A_81 = arith.constant 0 : index
    %swap3A_82 = vector.load %arg5[%swap3A, %swap3A_80, %swap3A_81] : memref<1x4x2048xi32, #tpu.memory_space<vmem>>, vector<1x1x2048xi32>
    %swap3A_83 = vector.shape_cast %swap3A_82 : vector<1x1x2048xi32> to vector<2048xi32>
    %swap3A_84 = vector.shape_cast %convert_element_type3A : vector<2048xi32> to vector<1x1x2048xi32>
    tpu.vector_store %arg5[%swap3A, %swap3A_80, %swap3A_81], %swap3A_84 {strides = array<i32>} : memref<1x4x2048xi32, #tpu.memory_space<vmem>>, vector<1x1x2048xi32>,
    %convert_element_type3A_85 = arith.fptosi %add3A_75 : vector<2048xf32> to vector<2048xi32>
    %swap3A_86 = arith.constant 0 : index
    %swap3A_87 = arith.constant 1 : index
    %swap3A_88 = arith.constant 0 : index
    %swap3A_89 = vector.load %arg5[%swap3A_86, %swap3A_87, %swap3A_88] : memref<1x4x2048xi32, #tpu.memory_space<vmem>>, vector<1x1x2048xi32>
    %swap3A_90 = vector.shape_cast %swap3A_89 : vector<1x1x2048xi32> to vector<2048xi32>
    %swap3A_91 = vector.shape_cast %convert_element_type3A_85 : vector<2048xi32> to vector<1x1x2048xi32>
    tpu.vector_store %arg5[%swap3A_86, %swap3A_87, %swap3A_88], %swap3A_91 {strides = array<i32>} : memref<1x4x2048xi32, #tpu.memory_space<vmem>>, vector<1x1x2048xi32>,
    %swap3A_92 = arith.constant 0 : index
    %swap3A_93 = arith.constant 0 : index
    %swap3A_94 = arith.constant 0 : index
    %swap3A_95 = vector.load %arg6[%swap3A_92, %swap3A_93, %swap3A_94] : memref<1x8x2048xf32, #tpu.memory_space<vmem>>, vector<1x4x2048xf32>
    %swap3A_96 = vector.shape_cast %swap3A_95 : vector<1x4x2048xf32> to vector<4x2048xf32>
    %swap3A_97 = vector.shape_cast %add3A_79 : vector<4x2048xf32> to vector<1x4x2048xf32>
    tpu.vector_store %arg6[%swap3A_92, %swap3A_93, %swap3A_94], %swap3A_97 {strides = array<i32>} : memref<1x8x2048xf32, #tpu.memory_space<vmem>>, vector<1x4x2048xf32>,
    %get3A_98 = arith.constant 0 : index
    %get3A_99 = arith.constant 512 : index
    %get3A_100 = arith.constant 0 : index
    %get3A_101 = vector.load %arg2[%get3A_98, %get3A_99, %get3A_100] : memref<1x1024x2048xf32, #tpu.memory_space<vmem>>, vector<1x512x2048xf32>
    %get3A_102 = vector.shape_cast %get3A_101 : vector<1x512x2048xf32> to vector<512x2048xf32>
    %get3A_103 = arith.constant 1 : index
    %get3A_104 = arith.constant 0 : index
    %get3A_105 = arith.constant 0 : index
    %get3A_106 = vector.load %arg3[%get3A_103, %get3A_104, %get3A_105] : memref<2x4x512xf32, #tpu.memory_space<vmem>>, vector<1x4x512xf32>
    %get3A_107 = vector.shape_cast %get3A_106 : vector<1x4x512xf32> to vector<4x512xf32>
    %dot_general3A_108 = arith.constant dense<0.000000e+00> : vector<4x2048xf32>
    %dot_general3A_109 = tpu.matmul %get3A_107, %get3A_102, %dot_general3A_108 {dimension_numbers = #tpu.dot_dimension_numbers<[1], [0], [0], [1], [0, 0, 1, 1], [], []>, transpose_lhs_hint = false} : vector<4x512xf32>, vector<512x2048xf32>, vector<4x2048xf32> -> vector<4x2048xf32>
    %get3A_110 = arith.constant 1 : index
    %get3A_111 = arith.constant 0 : index
    %get3A_112 = arith.constant 0 : index
    %get3A_113 = vector.load %arg4[%get3A_110, %get3A_111, %get3A_112] : memref<2x4x1xf32, #tpu.memory_space<vmem>>, vector<1x4x1xf32>
    %get3A_114 = vector.shape_cast %get3A_113 : vector<1x4x1xf32> to vector<4x1xf32>
    %add3A_115 = vector.broadcast %get3A_114 : vector<4x1xf32> to vector<4x2048xf32>
    %add3A_116 = arith.addf %dot_general3A_109, %add3A_115 : vector<4x2048xf32>
    %mul3A_117 = arith.constant 1.000000e+00 : f32
    %mul3A_118 = vector.broadcast %mul3A_117 : f32 to vector<4x2048xf32>
    %mul3A_119 = arith.mulf %add3A_116, %mul3A_118 : vector<4x2048xf32>
    %tanh3A_120 = math.tanh %mul3A_119 : vector<4x2048xf32>
    %mul3A_121 = arith.constant 2.002000e+00 : f32
    %mul3A_122 = vector.broadcast %mul3A_121 : f32 to vector<4x2048xf32>
    %mul3A_123 = arith.mulf %tanh3A_120, %mul3A_122 : vector<4x2048xf32>
    %round3A_124 = math.roundeven %mul3A_123 : vector<4x2048xf32>
    %slice3A_125 = vector.extract_strided_slice %round3A_124 {offsets = [3, 0], sizes = [1, 2048], strides = [1, 1]} : vector<4x2048xf32> to vector<1x2048xf32>
    %squeeze3A_126 = vector.shape_cast %slice3A_125 : vector<1x2048xf32> to vector<2048xf32>
    %mul3A_127 = arith.constant 5.000000e+00 : f32
    %mul3A_128 = vector.broadcast %mul3A_127 : f32 to vector<2048xf32>
    %mul3A_129 = arith.mulf %squeeze3A_126, %mul3A_128 : vector<2048xf32>
    %slice3A_130 = vector.extract_strided_slice %round3A_124 {offsets = [2, 0], sizes = [1, 2048], strides = [1, 1]} : vector<4x2048xf32> to vector<1x2048xf32>
    %squeeze3A_131 = vector.shape_cast %slice3A_130 : vector<1x2048xf32> to vector<2048xf32>
    %add3A_132 = arith.addf %mul3A_129, %squeeze3A_131 : vector<2048xf32>
    %mul3A_133 = arith.constant 5.000000e+00 : f32
    %mul3A_134 = vector.broadcast %mul3A_133 : f32 to vector<2048xf32>
    %mul3A_135 = arith.mulf %add3A_132, %mul3A_134 : vector<2048xf32>
    %slice3A_136 = vector.extract_strided_slice %round3A_124 {offsets = [1, 0], sizes = [1, 2048], strides = [1, 1]} : vector<4x2048xf32> to vector<1x2048xf32>
    %squeeze3A_137 = vector.shape_cast %slice3A_136 : vector<1x2048xf32> to vector<2048xf32>
    %add3A_138 = arith.addf %mul3A_135, %squeeze3A_137 : vector<2048xf32>
    %mul3A_139 = arith.constant 5.000000e+00 : f32
    %mul3A_140 = vector.broadcast %mul3A_139 : f32 to vector<2048xf32>
    %mul3A_141 = arith.mulf %add3A_138, %mul3A_140 : vector<2048xf32>
    %slice3A_142 = vector.extract_strided_slice %round3A_124 {offsets = [0, 0], sizes = [1, 2048], strides = [1, 1]} : vector<4x2048xf32> to vector<1x2048xf32>
    %squeeze3A_143 = vector.shape_cast %slice3A_142 : vector<1x2048xf32> to vector<2048xf32>
    %add3A_144 = arith.addf %mul3A_141, %squeeze3A_143 : vector<2048xf32>
    %add3A_145 = arith.constant 3.120000e+02 : f32
    %add3A_146 = vector.broadcast %add3A_145 : f32 to vector<2048xf32>
    %add3A_147 = arith.addf %add3A_144, %add3A_146 : vector<2048xf32>
    %mul3A_148 = arith.constant 5.000000e-01 : f32
    %mul3A_149 = vector.broadcast %mul3A_148 : f32 to vector<4x2048xf32>
    %mul3A_150 = arith.mulf %round3A_124, %mul3A_149 : vector<4x2048xf32>
    %sub3A_151 = arith.subf %add3A_116, %mul3A_150 : vector<4x2048xf32>
    %mul3A_152 = arith.constant 4.000000e+00 : f32
    %mul3A_153 = vector.broadcast %mul3A_152 : f32 to vector<4x2048xf32>
    %mul3A_154 = arith.mulf %sub3A_151, %mul3A_153 : vector<4x2048xf32>
    %tanh3A_155 = math.tanh %mul3A_154 : vector<4x2048xf32>
    %mul3A_156 = arith.constant 2.002000e+00 : f32
    %mul3A_157 = vector.broadcast %mul3A_156 : f32 to vector<4x2048xf32>
    %mul3A_158 = arith.mulf %tanh3A_155, %mul3A_157 : vector<4x2048xf32>
    %round3A_159 = math.roundeven %mul3A_158 : vector<4x2048xf32>
    %slice3A_160 = vector.extract_strided_slice %round3A_159 {offsets = [3, 0], sizes = [1, 2048], strides = [1, 1]} : vector<4x2048xf32> to vector<1x2048xf32>
    %squeeze3A_161 = vector.shape_cast %slice3A_160 : vector<1x2048xf32> to vector<2048xf32>
    %mul3A_162 = arith.constant 5.000000e+00 : f32
    %mul3A_163 = vector.broadcast %mul3A_162 : f32 to vector<2048xf32>
    %mul3A_164 = arith.mulf %squeeze3A_161, %mul3A_163 : vector<2048xf32>
    %slice3A_165 = vector.extract_strided_slice %round3A_159 {offsets = [2, 0], sizes = [1, 2048], strides = [1, 1]} : vector<4x2048xf32> to vector<1x2048xf32>
    %squeeze3A_166 = vector.shape_cast %slice3A_165 : vector<1x2048xf32> to vector<2048xf32>
    %add3A_167 = arith.addf %mul3A_164, %squeeze3A_166 : vector<2048xf32>
    %mul3A_168 = arith.constant 5.000000e+00 : f32
    %mul3A_169 = vector.broadcast %mul3A_168 : f32 to vector<2048xf32>
    %mul3A_170 = arith.mulf %add3A_167, %mul3A_169 : vector<2048xf32>
    %slice3A_171 = vector.extract_strided_slice %round3A_159 {offsets = [1, 0], sizes = [1, 2048], strides = [1, 1]} : vector<4x2048xf32> to vector<1x2048xf32>
    %squeeze3A_172 = vector.shape_cast %slice3A_171 : vector<1x2048xf32> to vector<2048xf32>
    %add3A_173 = arith.addf %mul3A_170, %squeeze3A_172 : vector<2048xf32>
    %mul3A_174 = arith.constant 5.000000e+00 : f32
    %mul3A_175 = vector.broadcast %mul3A_174 : f32 to vector<2048xf32>
    %mul3A_176 = arith.mulf %add3A_173, %mul3A_175 : vector<2048xf32>
    %slice3A_177 = vector.extract_strided_slice %round3A_159 {offsets = [0, 0], sizes = [1, 2048], strides = [1, 1]} : vector<4x2048xf32> to vector<1x2048xf32>
    %squeeze3A_178 = vector.shape_cast %slice3A_177 : vector<1x2048xf32> to vector<2048xf32>
    %add3A_179 = arith.addf %mul3A_176, %squeeze3A_178 : vector<2048xf32>
    %add3A_180 = arith.constant 3.120000e+02 : f32
    %add3A_181 = vector.broadcast %add3A_180 : f32 to vector<2048xf32>
    %add3A_182 = arith.addf %add3A_179, %add3A_181 : vector<2048xf32>
    %mul3A_183 = arith.constant 1.250000e-01 : f32
    %mul3A_184 = vector.broadcast %mul3A_183 : f32 to vector<4x2048xf32>
    %mul3A_185 = arith.mulf %round3A_159, %mul3A_184 : vector<4x2048xf32>
    %add3A_186 = arith.addf %mul3A_150, %mul3A_185 : vector<4x2048xf32>
    %convert_element_type3A_187 = arith.fptosi %add3A_147 : vector<2048xf32> to vector<2048xi32>
    %swap3A_188 = arith.constant 0 : index
    %swap3A_189 = arith.constant 2 : index
    %swap3A_190 = arith.constant 0 : index
    %swap3A_191 = vector.load %arg5[%swap3A_188, %swap3A_189, %swap3A_190] : memref<1x4x2048xi32, #tpu.memory_space<vmem>>, vector<1x1x2048xi32>
    %swap3A_192 = vector.shape_cast %swap3A_191 : vector<1x1x2048xi32> to vector<2048xi32>
    %swap3A_193 = vector.shape_cast %convert_element_type3A_187 : vector<2048xi32> to vector<1x1x2048xi32>
    tpu.vector_store %arg5[%swap3A_188, %swap3A_189, %swap3A_190], %swap3A_193 {strides = array<i32>} : memref<1x4x2048xi32, #tpu.memory_space<vmem>>, vector<1x1x2048xi32>,
    %convert_element_type3A_194 = arith.fptosi %add3A_182 : vector<2048xf32> to vector<2048xi32>
    %swap3A_195 = arith.constant 0 : index
    %swap3A_196 = arith.constant 3 : index
    %swap3A_197 = arith.constant 0 : index
    %swap3A_198 = vector.load %arg5[%swap3A_195, %swap3A_196, %swap3A_197] : memref<1x4x2048xi32, #tpu.memory_space<vmem>>, vector<1x1x2048xi32>
    %swap3A_199 = vector.shape_cast %swap3A_198 : vector<1x1x2048xi32> to vector<2048xi32>
    %swap3A_200 = vector.shape_cast %convert_element_type3A_194 : vector<2048xi32> to vector<1x1x2048xi32>
    tpu.vector_store %arg5[%swap3A_195, %swap3A_196, %swap3A_197], %swap3A_200 {strides = array<i32>} : memref<1x4x2048xi32, #tpu.memory_space<vmem>>, vector<1x1x2048xi32>,
    %swap3A_201 = arith.constant 0 : index
    %swap3A_202 = arith.constant 4 : index
    %swap3A_203 = arith.constant 0 : index
    %swap3A_204 = vector.load %arg6[%swap3A_201, %swap3A_202, %swap3A_203] : memref<1x8x2048xf32, #tpu.memory_space<vmem>>, vector<1x4x2048xf32>
    %swap3A_205 = vector.shape_cast %swap3A_204 : vector<1x4x2048xf32> to vector<4x2048xf32>
    %swap3A_206 = vector.shape_cast %add3A_186 : vector<4x2048xf32> to vector<1x4x2048xf32>
    tpu.vector_store %arg6[%swap3A_201, %swap3A_202, %swap3A_203], %swap3A_206 {strides = array<i32>} : memref<1x8x2048xf32, #tpu.memory_space<vmem>>, vector<1x4x2048xf32>,
    return
  }
  func.func @transform_0(%arg0: i32, %arg1: i32) -> (i32, i32, i32) {
    %c0_i32 = arith.constant 0 : i32
    %c0_i32_0 = arith.constant 0 : i32
    return %arg0, %c0_i32, %arg1 : i32, i32, i32
  }
  func.func @transform_1(%arg0: i32, %arg1: i32) -> (i32, i32, i32) {
    %c0_i32 = arith.constant 0 : i32
    %c0_i32_0 = arith.constant 0 : i32
    %c0_i32_1 = arith.constant 0 : i32
    %c0_i32_2 = arith.constant 0 : i32
    return %c0_i32, %c0_i32_0, %c0_i32_1 : i32, i32, i32
  }
  func.func @transform_2(%arg0: i32, %arg1: i32) -> (i32, i32, i32) {
    %c0_i32 = arith.constant 0 : i32
    %c0_i32_0 = arith.constant 0 : i32
    %c0_i32_1 = arith.constant 0 : i32
    %c0_i32_2 = arith.constant 0 : i32
    return %c0_i32, %c0_i32_0, %c0_i32_1 : i32, i32, i32
  }
  func.func @transform_3(%arg0: i32, %arg1: i32) -> (i32, i32, i32) {
    %c0_i32 = arith.constant 0 : i32
    %c0_i32_0 = arith.constant 0 : i32
    return %arg0, %c0_i32, %arg1 : i32, i32, i32
  }
  func.func @transform_4(%arg0: i32, %arg1: i32) -> (i32, i32, i32) {
    %c0_i32 = arith.constant 0 : i32
    %c0_i32_0 = arith.constant 0 : i32
    return %arg0, %c0_i32, %arg1 : i32, i32, i32
  }
}

module attributes {stable_mosaic.version = 14 : i64} {
  func.func @_project_tc_body(%arg0: i32, %arg1: i32, %arg2: memref<1x8x2048xf32, #tpu.memory_space<vmem>>, %arg3: memref<2x512x4xf32, #tpu.memory_space<vmem>>, %arg4: memref<2x512x1xf32, #tpu.memory_space<vmem>>, %arg5: memref<1x1024x2048xf32, #tpu.memory_space<vmem>>) attributes {dimension_semantics = [#tpu.dimension_semantics<arbitrary>, #tpu.dimension_semantics<arbitrary>], iteration_bounds = array<i64: 4, 1>, scalar_prefetch = 0 : i64, scratch_operands = 0 : i64, tpu.core_type = #tpu.core_type<tc>, window_params = [{transform_indices = @transform_0, window_bounds = array<i64: 1, 8, 2048>}, {pipeline_mode = #tpu.pipeline_mode<synchronous>, transform_indices = @transform_1, window_bounds = array<i64: 2, 512, 4>}, {pipeline_mode = #tpu.pipeline_mode<synchronous>, transform_indices = @transform_2, window_bounds = array<i64: 2, 512, 1>}, {transform_indices = @transform_3, window_bounds = array<i64: 1, 1024, 2048>}]} {
    %get3A = arith.constant 0 : index
    %get3A_0 = arith.constant 0 : index
    %get3A_1 = arith.constant 0 : index
    %get3A_2 = vector.load %arg3[%get3A, %get3A_0, %get3A_1] : memref<2x512x4xf32, #tpu.memory_space<vmem>>, vector<1x512x4xf32>
    %get3A_3 = vector.shape_cast %get3A_2 : vector<1x512x4xf32> to vector<512x4xf32>
    %convert_element_type3A = arith.truncf %get3A_3 : vector<512x4xf32> to vector<512x4xbf16>
    %convert_element_type3A_4 = arith.extf %convert_element_type3A : vector<512x4xbf16> to vector<512x4xf32>
    %sub3A = arith.subf %get3A_3, %convert_element_type3A_4 : vector<512x4xf32>
    %convert_element_type3A_5 = arith.truncf %sub3A : vector<512x4xf32> to vector<512x4xbf16>
    %get3A_6 = arith.constant 0 : index
    %get3A_7 = arith.constant 0 : index
    %get3A_8 = arith.constant 0 : index
    %get3A_9 = vector.load %arg2[%get3A_6, %get3A_7, %get3A_8] : memref<1x8x2048xf32, #tpu.memory_space<vmem>>, vector<1x4x2048xf32>
    %get3A_10 = vector.shape_cast %get3A_9 : vector<1x4x2048xf32> to vector<4x2048xf32>
    %convert_element_type3A_11 = arith.truncf %get3A_10 : vector<4x2048xf32> to vector<4x2048xbf16>
    %dot_general3A = arith.constant dense<0.000000e+00> : vector<512x2048xf32>
    %dot_general3A_12 = tpu.matmul %convert_element_type3A, %convert_element_type3A_11, %dot_general3A {dimension_numbers = #tpu.dot_dimension_numbers<[1], [0], [0], [1], [0, 0, 1, 1], [], []>, transpose_lhs_hint = false} : vector<512x4xbf16>, vector<4x2048xbf16>, vector<512x2048xf32> -> vector<512x2048xf32>
    %dot_general3A_13 = arith.constant dense<0.000000e+00> : vector<512x2048xf32>
    %dot_general3A_14 = tpu.matmul %convert_element_type3A_5, %convert_element_type3A_11, %dot_general3A_13 {dimension_numbers = #tpu.dot_dimension_numbers<[1], [0], [0], [1], [0, 0, 1, 1], [], []>, transpose_lhs_hint = false} : vector<512x4xbf16>, vector<4x2048xbf16>, vector<512x2048xf32> -> vector<512x2048xf32>
    %add3A = arith.addf %dot_general3A_12, %dot_general3A_14 : vector<512x2048xf32>
    %get3A_15 = arith.constant 0 : index
    %get3A_16 = arith.constant 0 : index
    %get3A_17 = arith.constant 0 : index
    %get3A_18 = vector.load %arg4[%get3A_15, %get3A_16, %get3A_17] : memref<2x512x1xf32, #tpu.memory_space<vmem>>, vector<1x512x1xf32>
    %get3A_19 = vector.shape_cast %get3A_18 : vector<1x512x1xf32> to vector<512x1xf32>
    %add3A_20 = vector.broadcast %get3A_19 : vector<512x1xf32> to vector<512x2048xf32>
    %add3A_21 = arith.addf %add3A, %add3A_20 : vector<512x2048xf32>
    %swap3A = arith.constant 0 : index
    %swap3A_22 = arith.constant 0 : index
    %swap3A_23 = arith.constant 0 : index
    %swap3A_24 = vector.load %arg5[%swap3A, %swap3A_22, %swap3A_23] : memref<1x1024x2048xf32, #tpu.memory_space<vmem>>, vector<1x512x2048xf32>
    %swap3A_25 = vector.shape_cast %swap3A_24 : vector<1x512x2048xf32> to vector<512x2048xf32>
    %swap3A_26 = vector.shape_cast %add3A_21 : vector<512x2048xf32> to vector<1x512x2048xf32>
    tpu.vector_store %arg5[%swap3A, %swap3A_22, %swap3A_23], %swap3A_26 {strides = array<i32>} : memref<1x1024x2048xf32, #tpu.memory_space<vmem>>, vector<1x512x2048xf32>,
    %get3A_27 = arith.constant 1 : index
    %get3A_28 = arith.constant 0 : index
    %get3A_29 = arith.constant 0 : index
    %get3A_30 = vector.load %arg3[%get3A_27, %get3A_28, %get3A_29] : memref<2x512x4xf32, #tpu.memory_space<vmem>>, vector<1x512x4xf32>
    %get3A_31 = vector.shape_cast %get3A_30 : vector<1x512x4xf32> to vector<512x4xf32>
    %convert_element_type3A_32 = arith.truncf %get3A_31 : vector<512x4xf32> to vector<512x4xbf16>
    %convert_element_type3A_33 = arith.extf %convert_element_type3A_32 : vector<512x4xbf16> to vector<512x4xf32>
    %sub3A_34 = arith.subf %get3A_31, %convert_element_type3A_33 : vector<512x4xf32>
    %convert_element_type3A_35 = arith.truncf %sub3A_34 : vector<512x4xf32> to vector<512x4xbf16>
    %get3A_36 = arith.constant 0 : index
    %get3A_37 = arith.constant 4 : index
    %get3A_38 = arith.constant 0 : index
    %get3A_39 = vector.load %arg2[%get3A_36, %get3A_37, %get3A_38] : memref<1x8x2048xf32, #tpu.memory_space<vmem>>, vector<1x4x2048xf32>
    %get3A_40 = vector.shape_cast %get3A_39 : vector<1x4x2048xf32> to vector<4x2048xf32>
    %convert_element_type3A_41 = arith.truncf %get3A_40 : vector<4x2048xf32> to vector<4x2048xbf16>
    %dot_general3A_42 = arith.constant dense<0.000000e+00> : vector<512x2048xf32>
    %dot_general3A_43 = tpu.matmul %convert_element_type3A_32, %convert_element_type3A_41, %dot_general3A_42 {dimension_numbers = #tpu.dot_dimension_numbers<[1], [0], [0], [1], [0, 0, 1, 1], [], []>, transpose_lhs_hint = false} : vector<512x4xbf16>, vector<4x2048xbf16>, vector<512x2048xf32> -> vector<512x2048xf32>
    %dot_general3A_44 = arith.constant dense<0.000000e+00> : vector<512x2048xf32>
    %dot_general3A_45 = tpu.matmul %convert_element_type3A_35, %convert_element_type3A_41, %dot_general3A_44 {dimension_numbers = #tpu.dot_dimension_numbers<[1], [0], [0], [1], [0, 0, 1, 1], [], []>, transpose_lhs_hint = false} : vector<512x4xbf16>, vector<4x2048xbf16>, vector<512x2048xf32> -> vector<512x2048xf32>
    %add3A_46 = arith.addf %dot_general3A_43, %dot_general3A_45 : vector<512x2048xf32>
    %get3A_47 = arith.constant 1 : index
    %get3A_48 = arith.constant 0 : index
    %get3A_49 = arith.constant 0 : index
    %get3A_50 = vector.load %arg4[%get3A_47, %get3A_48, %get3A_49] : memref<2x512x1xf32, #tpu.memory_space<vmem>>, vector<1x512x1xf32>
    %get3A_51 = vector.shape_cast %get3A_50 : vector<1x512x1xf32> to vector<512x1xf32>
    %add3A_52 = vector.broadcast %get3A_51 : vector<512x1xf32> to vector<512x2048xf32>
    %add3A_53 = arith.addf %add3A_46, %add3A_52 : vector<512x2048xf32>
    %swap3A_54 = arith.constant 0 : index
    %swap3A_55 = arith.constant 512 : index
    %swap3A_56 = arith.constant 0 : index
    %swap3A_57 = vector.load %arg5[%swap3A_54, %swap3A_55, %swap3A_56] : memref<1x1024x2048xf32, #tpu.memory_space<vmem>>, vector<1x512x2048xf32>
    %swap3A_58 = vector.shape_cast %swap3A_57 : vector<1x512x2048xf32> to vector<512x2048xf32>
    %swap3A_59 = vector.shape_cast %add3A_53 : vector<512x2048xf32> to vector<1x512x2048xf32>
    tpu.vector_store %arg5[%swap3A_54, %swap3A_55, %swap3A_56], %swap3A_59 {strides = array<i32>} : memref<1x1024x2048xf32, #tpu.memory_space<vmem>>, vector<1x512x2048xf32>,
    return
  }
  func.func @transform_0(%arg0: i32, %arg1: i32) -> (i32, i32, i32) {
    %c0_i32 = arith.constant 0 : i32
    %c0_i32_0 = arith.constant 0 : i32
    return %arg0, %c0_i32, %arg1 : i32, i32, i32
  }
  func.func @transform_1(%arg0: i32, %arg1: i32) -> (i32, i32, i32) {
    %c0_i32 = arith.constant 0 : i32
    %c0_i32_0 = arith.constant 0 : i32
    %c0_i32_1 = arith.constant 0 : i32
    %c0_i32_2 = arith.constant 0 : i32
    return %c0_i32, %c0_i32_0, %c0_i32_1 : i32, i32, i32
  }
  func.func @transform_2(%arg0: i32, %arg1: i32) -> (i32, i32, i32) {
    %c0_i32 = arith.constant 0 : i32
    %c0_i32_0 = arith.constant 0 : i32
    %c0_i32_1 = arith.constant 0 : i32
    %c0_i32_2 = arith.constant 0 : i32
    return %c0_i32, %c0_i32_0, %c0_i32_1 : i32, i32, i32
  }
  func.func @transform_3(%arg0: i32, %arg1: i32) -> (i32, i32, i32) {
    %c0_i32 = arith.constant 0 : i32
    %c0_i32_0 = arith.constant 0 : i32
    return %arg0, %c0_i32, %arg1 : i32, i32, i32
  }
}

</mosaic_0001>

<sc_bundles>
// kernel: kernel.5.cloned.1.call-start
scs
__scs_entry_jumppad:
0x0: {  	(pc) =	sbr.rel $0x88, $3  }
0x1: {  	(tag) =	ssettag $0x0;
	lr =	simm.s32 $0x1  }
0x2: {  	[smem:$0x3F9C] =	sst lr;
	_ =	strace $0xD0000000  }
0x3: {  	_ = 	snop  }
0x4: {  	_ = 	snop  }
0x5: {  	_ = 	snop  }
0x6: {  	_ = 	snop  }
0x7: {  	_ = 	snop  }
__scs_overlays_trampoline_lowered:
0x8: {  	[smem:$0x3FAB] =	sst s0  }
0x9: {  	[smem:$0x3FAC] =	sst s1  }
0xa: {  	[smem:$0x3FAD] =	sst s2  }
0xb: {  	[smem:$0x3FAE] =	sst s3  }
0xc: {  	[smem:$0x3FAF] =	sst s4  }
0xd: {  	[smem:$0x3FB0] =	sst s5  }
0xe: {  	[smem:$0x3FB1] =	sst s6  }
0xf: {  	[smem:$0x3FB2] =	sst s7  }
0x10: {  	[smem:$0x3FB3] =	sst s8  }
0x11: {  	[smem:$0x3FB4] =	sst s9;
	s0 =	simm.s32 @!p0 $0x0  }
0x12: {  	s1 =	sld [smem:$0x3F9A];
	s0 =	simm.s32 @p0 $0x1  }
0x13: {  	[smem:$0x3FB5] =	sst s0;
	s0 =	simm.s32 @!p1 $0x0  }
0x14: {  	s2 =	sld [smem:$0x3F99];
	s0 =	simm.s32 @p1 $0x1  }
0x15: {  	[smem:$0x3FB6] =	sst s0;
	s0 =	simm.s32 @!p2 $0x0  }
0x16: {  	s3 =	sld [smem:$0x3FDB];
	s0 =	simm.s32 @p2 $0x1  }
0x17: {  	s4 =	simm.s32 $0x1BF5;
	[smem:$0x3FB8] =	sst s0  }
0x18: {  	s0 =	sld [smem:$0x3F9B];
	_ =	swait.ge [sflag:s4], $0x0  }
0x19: {  	s7 =	sld [smem:$0x3F9C]  }
0x1a: {  	s8 =	sadd.s32 $0xFFFFE003, lr  }
0x1b: {  	s9 =	sadd.s32 $0xFFFFFEF7, lr;
	s5 =	simm.s32 $0xFFFFFFFF;
	p2 =	slt.u32 s8, $0xFFFFF086  }
0x1c: {  	p1 =	slt.u32 s9, $0xF7A;
	s5 =	simm.s32 @!p2 $0x0  }
0x1d: {  	s5 =	simm.s32 @p1 $0x1;
	p0 =	seq.s32 s7, s2  }
0x1e: {  	s7 =	smul.u32 @!p0 $0xF7A, s2;
	p2 =	seq.s32 @!p0 s5, $0x0  }
0x1f: {  	s9 =	smul.u32 $0xF7A, s1;
	s8 =	simm.s32 @!p0 $0x1BF5;
	p2 =	por !p2, p0  }
0x20: {  	[sflag:s8] =	ssyncset.s32 @!p0 $0xFFFFF086;
	s6 =	sadd.s32 @!p0 s3, s7;
	s7 =	simm.s32 @!p0 $0x108  }
0x21: {  	s3 =	sadd.s32 s3, s9;
	s6 =	sadd.s32 @!p0 $0x88, s6;
	s7 =	simm.s32 @p2 $0x1082  }
0x22: {  	[simem:s7], [sflag:s8] =	dma.local @!p0 [hbm:s6], $0xF7A  }
0x23: {  	s9 =	sor.u32 $0xD0000000, s2;
	s6 =	simm.s32 $0x108;
	_ =	swait.ge @!p0 [sflag:s8], $0x0  }
0x24: {  	s3 =	sadd.s32 $0x88, s3;
	s6 =	simm.s32 @!p1 $0x1082;
	[sflag:s4] =	ssyncset.s32 $0xFFFFF086  }
0x25: {  	[simem:s6], [sflag:s4] =	dma.local [hbm:s3], $0xF7A  }
0x26: {  	[smem:$0x3F9C] =	sst s1;
	(tag) =	ssettag s2;
	_ =	strace s9  }
0x27: {  	s1 =	sld [smem:$0x3FAC]  }
0x28: {  	s2 =	sld [smem:$0x3FAD]  }
0x29: {  	s4 =	sld [smem:$0x3FAF]  }
0x2a: {  	p0 =	seq.s32 s5, $0x0;
	s5 =	sld [smem:$0x3FB0]  }
0x2b: {  	s6 =	sld [smem:$0x3FB1]  }
0x2c: {  	s7 =	sld [smem:$0x3FB2]  }
0x2d: {  	s3 =	simm.s32 $0x108;
	s8 =	sld [smem:$0x3FB3]  }
0x2e: {  	s3 =	simm.s32 @!p0 $0x1082;
	s9 =	sld [smem:$0x3FB4]  }
0x2f: {  	lr =	sadd.s32 s0, s3;
	s0 =	sld [smem:$0x3FAB]  }
0x30: {  	s3 =	sld [smem:$0x3FAE]  }
0x31: {  	[smem:$0x3FB7] =	sst s10  }
0x32: {  	s10 =	sld [smem:$0x3FB5];
	_ =	sdelay $0x3  }
0x33: {  	p0 =	seq.s32 s10, $0x1;
	s10 =	sld [smem:$0x3FB7];
	_ =	sdelay $0x3  }
0x34: {  	[smem:$0x3FB7] =	sst s10  }
0x35: {  	s10 =	sld [smem:$0x3FB6];
	_ =	sdelay $0x3  }
0x36: {  	p1 =	seq.s32 s10, $0x1;
	s10 =	sld [smem:$0x3FB7];
	_ =	sdelay $0x3  }
0x37: {  	[smem:$0x3FB7] =	sst s10  }
0x38: {  	s10 =	sld [smem:$0x3FB8]  }
0x39: {  	_ = 	snop;
	(pc) =	sbr.ind lr, $3  }
0x3a: {  	_ = 	snop  }
0x3b: {  	_ = 	snop  }
0x3c: {  	p2 =	seq.s32 s10, $0x1;
	s10 =	sld [smem:$0x3FB7]  }
0x3d: {  	_ =	shalt  }
0x3e: {  	_ =	shalt  }
0x3f: {  	_ =	shalt  }
0x40: {  	_ =	shalt  }
0x41: {  	_ =	shalt  }
0x42: {  	_ =	shalt  }
0x43: {  	_ =	shalt  }
0x44: {  	_ =	shalt  }
0x45: {  	_ =	shalt  }
0x46: {  	_ =	shalt  }
0x47: {  	_ =	shalt  }
0x48: {  	_ =	shalt  }
0x49: {  	_ =	shalt  }
0x4a: {  	_ =	shalt  }
0x4b: {  	_ =	shalt  }
0x4c: {  	_ =	shalt  }
0x4d: {  	_ =	shalt  }
0x4e: {  	_ =	shalt  }
0x4f: {  	_ =	shalt  }
0x50: {  	_ =	shalt  }
0x51: {  	_ =	shalt  }
0x52: {  	_ =	shalt  }
0x53: {  	_ =	shalt  }
0x54: {  	_ =	shalt  }
0x55: {  	_ =	shalt  }
0x56: {  	_ =	shalt  }
0x57: {  	_ =	shalt  }
0x58: {  	_ =	shalt  }
0x59: {  	_ =	shalt  }
0x5a: {  	_ =	shalt  }
0x5b: {  	_ =	shalt  }
0x5c: {  	_ =	shalt  }
0x5d: {  	_ =	shalt  }
0x5e: {  	_ =	shalt  }
0x5f: {  	_ =	shalt  }
0x60: {  	_ =	shalt  }
0x61: {  	_ =	shalt  }
0x62: {  	_ =	shalt  }
0x63: {  	_ =	shalt  }
0x64: {  	_ =	shalt  }
0x65: {  	_ =	shalt  }
0x66: {  	_ =	shalt  }
0x67: {  	_ =	shalt  }
0x68: {  	_ =	shalt  }
0x69: {  	_ =	shalt  }
0x6a: {  	_ =	shalt  }
0x6b: {  	_ =	shalt  }
0x6c: {  	_ =	shalt  }
0x6d: {  	_ =	shalt  }
0x6e: {  	_ =	shalt  }
0x6f: {  	_ =	shalt  }
0x70: {  	_ =	shalt  }
0x71: {  	_ =	shalt  }
0x72: {  	_ =	shalt  }
0x73: {  	_ =	shalt  }
0x74: {  	_ =	shalt  }
0x75: {  	_ =	shalt  }
0x76: {  	_ =	shalt  }
0x77: {  	_ =	shalt  }
0x78: {  	_ =	shalt  }
0x79: {  	_ =	shalt  }
0x7a: {  	_ =	shalt  }
0x7b: {  	_ =	shalt  }
0x7c: {  	_ =	shalt  }
0x7d: {  	_ =	shalt  }
0x7e: {  	_ =	shalt  }
0x7f: {  	_ =	shalt  }
0x80: {  	_ =	shalt  }
0x81: {  	_ =	shalt  }
0x82: {  	_ =	shalt  }
0x83: {  	_ =	shalt  }
0x84: {  	_ =	shalt  }
0x85: {  	_ =	shalt  }
0x86: {  	_ =	shalt  }
0x87: {  	_ =	shalt  }
.Lfunc_end0:
.L_simem_size_0:
called_computation_lowered:
.L_overlay_start_0:
0x88: {  	s2 =	sld [smem:$0x3FD9]  }
0x89: {  	s3 =	sld [smem:$0x3FFE];
	_ =	sdelay $0x1  }
0x8a: {  	s1 =	srdreg.scid  }
0x8b: {  	s0 =	sand.u32 $0x1, s1  }
0x8c: {  	s15 =	sshll.u32 s0, $0xA;
	s2 =	sadd.s32 s3, s2  }
0x8d: {  	s2 =	sadd.s32 s2, s15  }
0x8e: {  	[smem:$0x3FC3] =	sst s2  }
0x8f: {  	_ = 	snop  }
0x90: {  	s2 =	sld [smem:$0x3FD0];
	_ =	sdelay $0x2  }
0x91: {  	s16 =	simm.s32 $0xA;
	s4 =	simm.s32 $0x10  }
0x92: {  	[smem:s4], [sflag:s16] =	dma.local [hbm:s2], $0x1  }
0x93: {  	_ =	swait.eq [sflag:s16], $0x1  }
0x94: {  	[sflag:s16] =	ssyncset.done $0x0  }
0x95: {  	s17 =	sld [smem:$0x12];
	[sflag:s16] =	ssyncadd.s32 $0xFFFFFFFF  }
0x96: {  	s18 =	sld [smem:$0x13];
	(tm) =	ssettm $0x1  }
0x97: {  	s19 =	sld [smem:$0x3FFB];
	_ =	sdelay $0x3  }
0x98: {  	_ =	strace s19  }
0x99: {  	s4 =	sld [smem:$0x3FFC];
	_ =	sdelay $0x3  }
0x9a: {  	_ =	strace s4  }
0x9b: {  	s4 =	sld [smem:$0x3FFD];
	_ =	sdelay $0x3  }
0x9c: {  	_ =	strace s4  }
0x9d: {  	_ =	strace $0x8FFFFFFF  }
0x9e: {  	s20 =	sld [smem:$0x3FDB];
	_ =	sdelay $0x1  }
0x9f: {  	s5 =	simm.s32 $_scs_section_size  }
0xa0: {  	s6 =	simm.s32 $_size__tile_overlayer_lowered;
	s7 =	simm.s32 $_tile_overlayer_lowered  }
0xa1: {  	s23 =	simm.s32 $0x1BFF;
	s22 =	sshll.u32 s7, $0x1;
	s4 =	sadd.s32 s5, s20  }
0xa2: {  	s8 =	simm.s32 $0x0;
	s21 =	sshll.u32 s6, $0x1;
	s6 =	sadd.s32 s22, s4  }
0xa3: {  	[timem:s8], [sflag:s23] =	dma.local [hbm:s6], s21  }
0xa4: {  	_ =	swait.ge [sflag:s23], s21  }
0xa5: {  	s5 =	ssub.s32 $0x0, s21;
	[sflag:s23] =	ssyncset.done $0x0  }
0xa6: {  	[sflag:s23] =	ssyncadd.s32 s5;
	_ =	sdelay $0x1  }
0xa7: {  	s24 =	simm.s32 $0x1B8B  }
0xa8: {  	_ =	swait.ge [sflag:s24], $0x1  }
0xa9: {  	[sflag:s24] =	ssyncset.done $0x0  }
0xaa: {  	s25 =	simm.s32 $0x1B8E;
	[sflag:s24] =	ssyncadd.s32 $0xFFFFFFFF  }
0xab: {  	s26 =	simm.s32 $execute0_lowered;
	[smem:$0x3FD2] =	sst s25  }
0xac: {  	s5 =	sshll.u32 s26, $0x1;
	_ =	strace $0x80000046;
	[dreg:$0x1] =	wrdreg $0xFFFFFFFF  }
0xad: {  	s28 =	simm.s32 $_size_execute0_lowered;
	s4 =	sadd.s32 s4, s5;
	[dreg:$0x0] =	wrdreg $0x0  }
0xae: {  	s5 =	sshll.u32 s28, $0x1;
	[dreg:$0x2] =	wrdreg s4  }
0xaf: {  	[dreg:$0x3] =	wrdreg s5  }
0xb0: {  	[dreg:$0x4] =	wrdreg $0xC0  }
0xb1: {  	_ =	task [dreg:s8], $0x5FFFF  }
0xb2: {  	[dreg:$0x1] =	wrdreg $0xFFFFFFFF  }
0xb3: {  	[dreg:$0x0] =	wrdreg $0x60  }
0xb4: {  	[dreg:$0x2] =	wrdreg s18  }
0xb5: {  	[dreg:$0x3] =	wrdreg s17  }
0xb6: {  	[dreg:$0x4] =	wrdreg $0x42800  }
0xb7: {  	[dreg:$0x5] =	wrdreg $0x9  }
0xb8: {  	_ =	task.clear_ibuf [dreg:s8], $0x6FFFF;
	_ =	strace $0x90000046  }
0xb9: {  	s29 =	simm.s32 $0x9;
	_ =	strace $0x80000048  }
0xba: {  	_ =	swait.ge [sflag:s29], $0x1  }
0xbb: {  	[sflag:s29] =	ssyncadd.s32 $0xFFFFFFFF  }
0xbc: {  	_ =	strace $0x90000048  }
0xbd: {  	_ =	sfence  }
0xbe: {  	s30 =	sld [smem:$0x0];
	_ =	sdelay $0x2  }
0xbf: {  	s31 =	sshll.u32 s1, $0xD;
	s1 =	sshrl.u32 s1, $0x2  }
0xc0: {  	s3 =	sand.u32 $0x4000, s31;
	s1 =	sadd.s32 s1, s30  }
0xc1: {  	s0 =	sor.u32 s3, s0;
	s1 =	sshll.u32 s1, $0x11  }
0xc2: {  	s0 =	sor.u32 s1, s0  }
0xc3: {  	s0 =	sadd.s32 $0x8F2B, s0  }
0xc4: {  	[sflag:s0] =	ssyncadd.remote.s32 $0x1  }
0xc5: {  	_ =	sfence.sel $0xFFFF  }
0xc6: {  	[dreg:$0x0] =	wrdreg $0xFFFFFFFF;
	(pc) =	sbr.abs _section_cstart, $3  }
0xc7: {  	[dreg:$0x1] =	wrdreg $0xFFFFFFFF  }
0xc8: {  	_ =	task.clear_ibuf [dreg:s8], $0x2FFFF;
	_ =	strace $0x9FFFFFFF  }
0xc9: {  	(tm) =	ssettm $0x7FFFFFFF  }
tec
execute0_lowered:
.L_overlay_start_1:
0x0: {  	(tag) =	ssettag $0x1  }
0x1: {  	s5 =	rddreg [dreg:$0x0]  }
0x2: {  	s0 =	srdreg.scid;
	s7 =	rddreg [dreg:$0x1];
	s2 =	simm.s32 $0x1  }
0x3: {  	s6 =	rddreg [dreg:$0x2];
	s12 =	simm.s32 $0x2C00;
	s3 =	sand.u32 $0x1, s0  }
0x4: {  	s13 =	simm.s32 $0x2E80;
	s0 =	stileid.u32;
	s1 =	sshll.u32 s3, $0x4  }
0x5: {  	s14 =	simm.s32 $0x0;
	s4 =	sand.u32 $0x7, s0;
	s1 =	sor.u32 s0, s1  }
0x6: {  	s3 =	ssub.s32 $0x2, s3;
	p1 =	sne.s32 s4, $0x0;
	p0 =	seq.s32 s1, $0x0  }
0x7: {  	s29 =	sshrl.u32 s0, $0x3;
	s31 =	sshll.u32 s0, $0x7;
	p0 =	por !p1, !p0  }
0x8: {  	s4 =	sshll.u32 s4, $0xC;
	s30 =	sshrl.u32 s3, $0x1;
	p0 =	por !p0, !p0  }
0x9: {  	s11 =	sand.u32 $0x380, s31;
	s8 =	sshrl.u32 s1, $0x3;
	s2 =	simm.s32 @!p0 $0x0  }
0xa: {  	s1 =	rddreg [dreg:$0x3];
	s10 =	sand.u32 $0x6000, s4;
	s8 =	ssub.s32 s8, s2  }
0xb: {  	s4 =	sand.u32 $0x1000, s4;
	s2 =	simm.s32 $0x0;
	s9 =	sshll.u32 s8, $0xB  }
0xc: {  	[smem:$0x7FF] =	sst s2;
	s26 =	sshll.u32 s8, $0x7;
	s9 =	sand.u32 $0xFFFFE000, s9  }
0xd: {  	s8 =	sshll.u32 s8, $0x1;
	_ =	strace $0x80000047;
	s9 =	sadd.s32 s10, s9  }
0xe: {  	s28 =	sand.u32 $0x180, s26;
	s4 =	sor.u32 s4, s9;
	s9 =	smul.u32 $0x5000, s29  }
.Ltmp0:
0xf: {  	s8 =	sand.u32 $0x1FFFFFFE, s8;
	s10 =	ssub.s32 s3, s30;
	(pc) =	sbr.rel .LBB2_1-.Ltmp0, $4  }
0x10: {  	s3 =	simm.s32 $0x1;
	s7 =	sadd.s32 s7, s8;
	s4 =	sor.u32 s28, s4  }
0x11: {  	s8 =	smax.u32 s10, $0x1;
	s4 =	sshrl.u32 s4, $0x3;
	s9 =	sshrl.u32 s9, $0x2  }
0x12: {  	v0 =	vimm.f32 $0.0e+00;
	v1 =	vlaneseq.u32;
	s10 =	simm.s32 $0x200;
	s4 =	sadd.s32 s5, s4;
	s5 =	sadd.s32 s9, s6  }
0x13: {  	v2 =	vimm.f32 $1.000000000e+00;
	vm0 =	vmmov $0x1;
	v1 =	vmul.u32 $0x280, v1;
	s9 =	simm.s32 $0x80;
	s6 =	sadd.s32 s11, s5;
	s11 =	simm.s32 $0x400  }
.LBB2_13:
0x14: {  	s14 =	sadd.s32 $0x1, s14  }
0x15: {  	p0 =	sne.s32 s14, s8  }
.Ltmp1:
0x16: {  	_ = 	snop;
	(pc) =	sbr.rel @!p0 .LBB2_14-.Ltmp1, $1  }
0x17: {  	_ =	sdelay $0x3  }
.LBB2_1:
0x18: {  	[tilespmem:s2], [sflag:$0x1] =	stream.strided.gather [hbm4b:s4+s9], $0x400, s10, s9, $0x38;
	[tilespmem:$0x4500] =	vst v63  }
0x19: {  	_ =	swait.ge [sflag:s3], $0x400  }
0x1a: {  	[sflag:s3] =	ssyncset.done $0x0  }
0x1b: {  	s16 =	simm.s32 $0x0;
	s15 =	simm.s32 $0x200;
	[sflag:s3] =	ssyncadd.s32 $0xFFFFFC00  }
.LBB2_2:
0x1c: {  	p0 =	sne.s32 s15, $0x9E00;
	[tilespmem:s16+$0x470] =	vst v0  }
0x1d: {  	[tilespmem:s16+$0x400] =	vst v0  }
0x1e: {  	[tilespmem:s16+$0x410] =	vst v0  }
.Ltmp2:
0x1f: {  	[tilespmem:s16+$0x420] =	vst v0;
	(pc) =	sbr.rel @p0 .LBB2_2-.Ltmp2, $4  }
0x20: {  	[tilespmem:s16+$0x430] =	vst v0  }
0x21: {  	[tilespmem:s16+$0x440] =	vst v0  }
0x22: {  	[tilespmem:s16+$0x450] =	vst v0  }
0x23: {  	[tilespmem:s16+$0x460] =	vst v0;
	s16 =	sshra.s32 s15, $0x2;
	s15 =	sadd.s32 $0x200, s15  }
0x24: {  	[tilespmem:s16+$0x470] =	vst v0  }
0x25: {  	[tilespmem:s16+$0x400] =	vst v0  }
0x26: {  	[tilespmem:s16+$0x410] =	vst v0  }
0x27: {  	[tilespmem:s16+$0x420] =	vst v0  }
0x28: {  	[tilespmem:s16+$0x430] =	vst v0  }
0x29: {  	[tilespmem:s16+$0x440] =	vst v0  }
0x2a: {  	[tilespmem:s16+$0x450] =	vst v0  }
0x2b: {  	s15 =	simm.s32 $0x0;
	[tilespmem:s16+$0x460] =	vst v0;
	s16 =	simm.s32 $0x0  }
.LBB2_4:
0x2c: {  	s18 =	sshra.s32 s16, $0x2  }
0x2d: {  	v3 =	vld [tilespmem:s18+$0x0];
	_ =	sdelay $0x4  }
0x2e: {  	v3 =	vadd.s32 v1, v3;
	_ =	sdelay $0x3  }
0x2f: {  	s17 =	simm.s32 $0x400  }
0x30: {  	[tilespmem:v3+s17+$0x0] =	vst.idx.add.f32.msk $0xffff, v2  }
0x31: {  	v3 =	vld [tilespmem:s18+$0x10];
	_ =	sdelay $0x4  }
0x32: {  	v3 =	vadd.s32 v1, v3;
	_ =	sdelay $0x4  }
0x33: {  	[tilespmem:v3+s17+$0x0] =	vst.idx.add.f32.msk $0xffff, v2  }
0x34: {  	v3 =	vld [tilespmem:s18+$0x20];
	_ =	sdelay $0x4  }
0x35: {  	v3 =	vadd.s32 v1, v3;
	_ =	sdelay $0x4  }
0x36: {  	[tilespmem:v3+s17+$0x0] =	vst.idx.add.f32.msk $0xffff, v2  }
0x37: {  	v3 =	vld [tilespmem:s18+$0x30];
	_ =	sdelay $0x4  }
0x38: {  	v3 =	vadd.s32 v1, v3;
	_ =	sdelay $0x4  }
0x39: {  	[tilespmem:v3+s17+$0x0] =	vst.idx.add.f32.msk $0xffff, v2  }
0x3a: {  	v3 =	vld [tilespmem:s18+$0x40];
	_ =	sdelay $0x4  }
0x3b: {  	v3 =	vadd.s32 v1, v3;
	_ =	sdelay $0x4  }
0x3c: {  	[tilespmem:v3+s17+$0x0] =	vst.idx.add.f32.msk $0xffff, v2  }
0x3d: {  	v3 =	vld [tilespmem:s18+$0x50];
	_ =	sdelay $0x4  }
0x3e: {  	v3 =	vadd.s32 v1, v3;
	_ =	sdelay $0x4  }
0x3f: {  	[tilespmem:v3+s17+$0x0] =	vst.idx.add.f32.msk $0xffff, v2  }
0x40: {  	v3 =	vld [tilespmem:s18+$0x60];
	_ =	sdelay $0x4  }
0x41: {  	v3 =	vadd.s32 v1, v3;
	_ =	sdelay $0x4  }
0x42: {  	[tilespmem:v3+s17+$0x0] =	vst.idx.add.f32.msk $0xffff, v2  }
0x43: {  	v3 =	vld [tilespmem:s18+$0x70];
	_ =	sdelay $0x4  }
0x44: {  	p0 =	sne.s32 s16, $0xE00;
	v3 =	vadd.s32 v1, v3  }
.Ltmp3:
0x45: {  	_ = 	snop;
	(pc) =	sbr.rel @p0 .LBB2_4-.Ltmp3, $2  }
0x46: {  	_ =	sdelay $0x2  }
0x47: {  	s16 =	sadd.s32 $0x200, s16;
	[tilespmem:v3+s17+$0x0] =	vst.idx.add.f32.msk $0xffff, v2  }
0x48: {  	s15 =	sand.u32 $0x3F0, s15;
	v4 =	vld [tilespmem:s17+$0x0]  }
0x49: {  	v3 =	vld [tilespmem:s15+$0x680];
	_ =	sdelay $0x1  }
0x4a: {  	v5 =	vld [tilespmem:s15+$0x900];
	_ =	sdelay $0x1  }
0x4b: {  	v6 =	vld [tilespmem:s15+$0xB80]  }
0x4c: {  	v3 =	vadd.f32 v3, v4  }
0x4d: {  	v4 =	vld [tilespmem:s15+$0xE00]  }
0x4e: {  	v3 =	vadd.f32 v5, v3  }
0x4f: {  	v5 =	vld [tilespmem:s15+$0x1080]  }
0x50: {  	v3 =	vadd.f32 v6, v3  }
0x51: {  	v60 =	vld [tilespmem:s15+$0x1300]  }
0x52: {  	v3 =	vadd.f32 v4, v3  }
0x53: {  	v4 =	vld [tilespmem:s15+$0x1580]  }
0x54: {  	v3 =	vadd.f32 v5, v3  }
0x55: {  	v5 =	vld [tilespmem:s15+$0x1800]  }
0x56: {  	v3 =	vadd.f32 v60, v3  }
0x57: {  	v61 =	vld [tilespmem:s15+$0x1A80]  }
0x58: {  	v3 =	vadd.f32 v4, v3  }
0x59: {  	v4 =	vld [tilespmem:s15+$0x1D00]  }
0x5a: {  	v3 =	vadd.f32 v5, v3  }
0x5b: {  	v5 =	vld [tilespmem:s15+$0x1F80]  }
0x5c: {  	v3 =	vadd.f32 v61, v3  }
0x5d: {  	v62 =	vld [tilespmem:s15+$0x2200]  }
0x5e: {  	v3 =	vadd.f32 v4, v3  }
0x5f: {  	v4 =	vld [tilespmem:s15+$0x2480]  }
0x60: {  	v3 =	vadd.f32 v5, v3  }
0x61: {  	v5 =	vld [tilespmem:s15+$0x2700]  }
0x62: {  	v3 =	vadd.f32 v62, v3  }
0x63: {  	v63 =	vld [tilespmem:s15+$0x2980]  }
0x64: {  	v3 =	vadd.f32 v4, v3;
	_ =	sdelay $0x1  }
0x65: {  	v3 =	vadd.f32 v5, v3;
	_ =	sdelay $0x1  }
0x66: {  	v3 =	vadd.f32 v63, v3  }
0x67: {  	s16 =	simm.s32 $0x10;
	s15 =	simm.s32 $0x2C00  }
0x68: {  	s16 =	sand.u32 $0x3F0, s16;
	[tilespmem:s15+$0x0] =	vst v3  }
0x69: {  	s18 =	simm.s32 $0x20;
	s17 =	simm.s32 $0x410;
	v3 =	vld [tilespmem:s16+$0x680]  }
.LBB2_6:
0x6a: {  	p0 =	sne.s32 s18, $0x270;
	v4 =	vld [tilespmem:s17+$0x0];
	_ =	sdelay $0x1  }
0x6b: {  	v5 =	vld [tilespmem:s16+$0x900];
	_ =	sdelay $0x1  }
0x6c: {  	v6 =	vld [tilespmem:s16+$0xB80]  }
0x6d: {  	v3 =	vadd.f32 v3, v4  }
0x6e: {  	v4 =	vld [tilespmem:s16+$0xE00]  }
0x6f: {  	v3 =	vadd.f32 v5, v3  }
0x70: {  	v5 =	vld [tilespmem:s16+$0x1080]  }
0x71: {  	v3 =	vadd.f32 v6, v3  }
0x72: {  	v6 =	vld [tilespmem:s16+$0x1300]  }
0x73: {  	v3 =	vadd.f32 v4, v3  }
0x74: {  	v4 =	vld [tilespmem:s16+$0x1580]  }
0x75: {  	v3 =	vadd.f32 v5, v3  }
0x76: {  	v5 =	vld [tilespmem:s16+$0x1800]  }
0x77: {  	v3 =	vadd.f32 v6, v3  }
0x78: {  	v6 =	vld [tilespmem:s16+$0x1A80]  }
0x79: {  	v3 =	vadd.f32 v4, v3  }
0x7a: {  	v4 =	vld [tilespmem:s16+$0x1D00]  }
0x7b: {  	v3 =	vadd.f32 v5, v3  }
0x7c: {  	v5 =	vld [tilespmem:s16+$0x1F80]  }
0x7d: {  	v3 =	vadd.f32 v6, v3  }
0x7e: {  	v6 =	vld [tilespmem:s16+$0x2200]  }
0x7f: {  	v3 =	vadd.f32 v4, v3  }
0x80: {  	v4 =	vld [tilespmem:s16+$0x2480]  }
0x81: {  	v3 =	vadd.f32 v5, v3  }
0x82: {  	v5 =	vld [tilespmem:s16+$0x2700]  }
0x83: {  	v3 =	vadd.f32 v6, v3  }
0x84: {  	v6 =	vld [tilespmem:s16+$0x2980]  }
0x85: {  	v3 =	vadd.f32 v4, v3;
	_ =	sdelay $0x1  }
0x86: {  	v3 =	vadd.f32 v5, v3  }
.Ltmp4:
0x87: {  	(pc) =	sbr.rel @p0 .LBB2_6-.Ltmp4, $4  }
0x88: {  	v3 =	vadd.f32 v6, v3  }
0x89: {  	s15 =	sadd.s32 $0x10, s15  }
0x8a: {  	s16 =	sand.u32 $0x3F0, s18;
	[tilespmem:s15+$0x0] =	vst v3  }
0x8b: {  	s17 =	sadd.s32 $0x10, s17;
	s18 =	sadd.s32 $0x10, s18;
	v3 =	vld [tilespmem:s16+$0x680]  }
0x8c: {  	v4 =	vld [tilespmem:s17+$0x0];
	_ =	sdelay $0x1  }
0x8d: {  	v5 =	vld [tilespmem:s16+$0x900];
	_ =	sdelay $0x1  }
0x8e: {  	v6 =	vld [tilespmem:s16+$0xB80]  }
0x8f: {  	v3 =	vadd.f32 v3, v4  }
0x90: {  	v52 =	vld [tilespmem:s16+$0xE00]  }
0x91: {  	v3 =	vadd.f32 v5, v3  }
0x92: {  	v53 =	vld [tilespmem:s16+$0x1080]  }
0x93: {  	v3 =	vadd.f32 v6, v3  }
0x94: {  	v54 =	vld [tilespmem:s16+$0x1300]  }
0x95: {  	v3 =	vadd.f32 v52, v3  }
0x96: {  	v55 =	vld [tilespmem:s16+$0x1580]  }
0x97: {  	v3 =	vadd.f32 v53, v3  }
0x98: {  	v56 =	vld [tilespmem:s16+$0x1800]  }
0x99: {  	v3 =	vadd.f32 v54, v3  }
0x9a: {  	v57 =	vld [tilespmem:s16+$0x1A80]  }
0x9b: {  	v3 =	vadd.f32 v55, v3  }
0x9c: {  	v58 =	vld [tilespmem:s16+$0x1D00]  }
0x9d: {  	v3 =	vadd.f32 v56, v3  }
0x9e: {  	v59 =	vld [tilespmem:s16+$0x1F80]  }
0x9f: {  	v3 =	vadd.f32 v57, v3  }
0xa0: {  	v60 =	vld [tilespmem:s16+$0x2200]  }
0xa1: {  	v3 =	vadd.f32 v58, v3  }
0xa2: {  	v61 =	vld [tilespmem:s16+$0x2480]  }
0xa3: {  	v3 =	vadd.f32 v59, v3  }
0xa4: {  	v62 =	vld [tilespmem:s16+$0x2700]  }
0xa5: {  	v3 =	vadd.f32 v60, v3  }
0xa6: {  	v63 =	vld [tilespmem:s16+$0x2980]  }
0xa7: {  	v3 =	vadd.f32 v61, v3;
	_ =	sdelay $0x1  }
0xa8: {  	v3 =	vadd.f32 v62, v3;
	_ =	sdelay $0x1  }
0xa9: {  	v3 =	vadd.f32 v63, v3  }
0xaa: {  	s15 =	sadd.s32 $0x10, s15;
	s31 =	sor.u32 $0x8, s0  }
0xab: {  	p0 =	seq.s32 s31, $0x8;
	[tilespmem:s15+$0x0] =	vst v3  }
0xac: {  	[spmem:s6] =	stream.strided.scatter [tilespmem:s12], [sflag:$0x1], $0x280, s11, s9, $0x38;
	[tilespmem:$0x4500] =	vst v63  }
.Ltmp5:
0xad: {  	_ =	swait.ge [sflag:s3], $0x280;
	(pc) =	sbr.rel @!p0 .LBB2_13-.Ltmp5, $3  }
0xae: {  	[sflag:s3] =	ssyncset.done $0x0  }
0xaf: {  	[sflag:s3] =	ssyncadd.s32 $0xFFFFFD80  }
0xb0: {  	[bflag:$0x0] =	sbarrier.arrive $0xFFFF;
	_ =	sdelay $0x1  }
0xb1: {  	[tilespmem:s13], [sflag:$0x1] =	stream.linear.gather [spmem:s5], $0x1400, $0x38;
	[tilespmem:$0x4500] =	vst v63  }
0xb2: {  	s15 =	simm.s32 $0x0;
	_ =	swait.ge [sflag:s3], $0x1400  }
0xb3: {  	s16 =	sand.u32 $0x70, s15;
	s15 =	sand.u32 $0x1C00, s15;
	[sflag:s3] =	ssyncset.done $0x0  }
0xb4: {  	s15 =	sor.u32 s16, s15;
	[sflag:s3] =	ssyncadd.s32 $0xFFFFEC00  }
0xb5: {  	v3 =	vld [tilespmem:s15+$0x2F00]  }
0xb6: {  	v4 =	vld [tilespmem:s15+$0x2E80];
	_ =	sdelay $0x1  }
0xb7: {  	v5 =	vld [tilespmem:s15+$0x2F80];
	_ =	sdelay $0x1  }
0xb8: {  	v6 =	vld [tilespmem:s15+$0x3000]  }
0xb9: {  	v3 =	vadd.f32 v3, v4  }
0xba: {  	v4 =	vld [tilespmem:s15+$0x3080]  }
0xbb: {  	v3 =	vadd.f32 v5, v3  }
0xbc: {  	v5 =	vld [tilespmem:s15+$0x3100]  }
0xbd: {  	v3 =	vadd.f32 v6, v3  }
0xbe: {  	v63 =	vld [tilespmem:s15+$0x3180]  }
0xbf: {  	v3 =	vadd.f32 v4, v3  }
0xc0: {  	v4 =	vld [tilespmem:s15+$0x3200]  }
0xc1: {  	v3 =	vadd.f32 v5, v3;
	_ =	sdelay $0x1  }
0xc2: {  	v3 =	vadd.f32 v63, v3;
	_ =	sdelay $0x1  }
0xc3: {  	s17 =	simm.s32 $0x10;
	s16 =	simm.s32 $0x80;
	v3 =	vadd.f32 v4, v3  }
0xc4: {  	s17 =	sand.u32 $0x70, s17;
	s18 =	sand.u32 $0x1C00, s16;
	s15 =	simm.s32 $0x2C00;
	v4 =	vimm.f32 $0.0e+00  }
0xc5: {  	s18 =	sor.u32 s17, s18;
	s17 =	simm.s32 $0x20;
	[tilespmem:s15+$0x0] =	vst v3;
	v3 =	vadd.f32 v3, v4  }
.LBB2_9:
0xc6: {  	p0 =	sne.s32 s17, $0x270;
	v4 =	vld [tilespmem:s18+$0x2F00]  }
0xc7: {  	v5 =	vld [tilespmem:s18+$0x2E80];
	_ =	sdelay $0x1  }
0xc8: {  	v6 =	vld [tilespmem:s18+$0x2F80];
	_ =	sdelay $0x1  }
0xc9: {  	v7 =	vld [tilespmem:s18+$0x3000]  }
0xca: {  	v4 =	vadd.f32 v4, v5  }
0xcb: {  	v5 =	vld [tilespmem:s18+$0x3080]  }
0xcc: {  	v4 =	vadd.f32 v6, v4  }
0xcd: {  	v6 =	vld [tilespmem:s18+$0x3100]  }
0xce: {  	v4 =	vadd.f32 v7, v4  }
0xcf: {  	v7 =	vld [tilespmem:s18+$0x3180]  }
0xd0: {  	v4 =	vadd.f32 v5, v4  }
0xd1: {  	v5 =	vld [tilespmem:s18+$0x3200]  }
0xd2: {  	v4 =	vadd.f32 v6, v4;
	_ =	sdelay $0x1  }
.Ltmp6:
0xd3: {  	v4 =	vadd.f32 v7, v4;
	(pc) =	sbr.rel @p0 .LBB2_9-.Ltmp6, $4  }
0xd4: {  	_ = 	snop  }
0xd5: {  	s16 =	sadd.s32 $0x80, s16;
	v4 =	vadd.f32 v5, v4  }
0xd6: {  	s15 =	sadd.s32 $0x10, s15;
	s19 =	sand.u32 $0x1C00, s16;
	s18 =	sand.u32 $0x70, s17  }
0xd7: {  	s17 =	sadd.s32 $0x10, s17;
	s18 =	sor.u32 s18, s19;
	[tilespmem:s15+$0x0] =	vst v4;
	v3 =	vadd.f32 v4, v3  }
0xd8: {  	v4 =	vld [tilespmem:s18+$0x2F00]  }
0xd9: {  	v5 =	vld [tilespmem:s18+$0x2E80];
	_ =	sdelay $0x1  }
0xda: {  	v6 =	vld [tilespmem:s18+$0x2F80];
	_ =	sdelay $0x1  }
0xdb: {  	v7 =	vld [tilespmem:s18+$0x3000]  }
0xdc: {  	v4 =	vadd.f32 v4, v5  }
0xdd: {  	v5 =	vld [tilespmem:s18+$0x3080]  }
0xde: {  	v4 =	vadd.f32 v6, v4  }
0xdf: {  	v6 =	vld [tilespmem:s18+$0x3100]  }
0xe0: {  	v4 =	vadd.f32 v7, v4  }
0xe1: {  	v7 =	vld [tilespmem:s18+$0x3180]  }
0xe2: {  	v4 =	vadd.f32 v5, v4  }
0xe3: {  	v5 =	vld [tilespmem:s18+$0x3200]  }
0xe4: {  	v4 =	vadd.f32 v6, v4;
	_ =	sdelay $0x1  }
0xe5: {  	v4 =	vadd.f32 v7, v4;
	_ =	sdelay $0x1  }
0xe6: {  	v4 =	vadd.f32 v5, v4;
	_ =	sdelay $0x1  }
0xe7: {  	v3 =	vadd.f32 v4, v3;
	_ =	sdelay $0x1  }
0xe8: {  	(xrf2) =	vadd.scan.msk.f32 $0xffff, v3;
	_ =	sdelay $0x9  }
0xe9: {  	v3, _, _ =	vpop (xrf2)  }
0xea: {  	(v2sf) =	vpush v3, $0xF;
	_ =	sdelay $0xe  }
0xeb: {  	s16 =	spop (v2sf)  }
0xec: {  	s16 =	smul.f32 $1.220703130e-04, s16;
	_ =	sdelay $0x1  }
0xed: {  	s16 =	sadd.f32 $9.999999740e-06, s16;
	_ =	sdelay $0x1  }
0xee: {  	v3 =	vmov s16  }
0xef: {  	(erf) = vrcp.f32 v3  }
0xf0: {  	s15 =	sadd.s32 $0x10, s15  }
0xf1: {  	s25 =	simm.s32 $0x0;
	[tilespmem:s15+$0x0] =	vst v4  }
0xf2: {  	v3 =	vld [tilespmem:s25+$0x2C00];
	_ =	sdelay $0x4  }
0xf3: {  	v3 =	vmul.f32 $1.220703130e-04, v3  }
0xf4: {  	v10 =	vpop (erf)  }
0xf5: {  	v7 =	vmul.f32 v3, v10;
	_ =	sdelay $0x1  }
0xf6: {  	v6 =	vadd.f32 $9.999999740e-06, v7  }
0xf7: {  	s26 =	simm.s32 $0x10  }
0xf8: {  	v3 =	vld [tilespmem:s26+$0x2C00];
	v4 =	vand.u32 $0x7FFFFF, v6  }
0xf9: {  	v4 =	vor.u32 $0x3F800000, v4  }
0xfa: {  	v5 =	vadd.f32 $1.000000000e+00, v4;
	_ =	sdelay $0x1  }
0xfb: {  	(erf) = vrcp.f32 v5  }
0xfc: {  	v3 =	vmul.f32 $1.220703130e-04, v3;
	_ =	sdelay $0x1  }
0xfd: {  	v5 =	vmul.f32 v3, v10;
	_ =	sdelay $0x1  }
0xfe: {  	v18 =	vadd.f32 $9.999999740e-06, v5  }
0xff: {  	s28 =	simm.s32 $0x20  }
0x100: {  	v3 =	vld [tilespmem:s28+$0x2C00];
	v8 =	vand.u32 $0x7FFFFF, v18  }
0x101: {  	v4 =	vadd.f32 $-1.000000000e+00, v4;
	v8 =	vor.u32 $0x3F800000, v8  }
0x102: {  	v9 =	vadd.f32 $1.000000000e+00, v8;
	v11 =	vpop (erf)  }
0x103: {  	v11 =	vmul.f32 v11, v4  }
0x104: {  	(erf) = vrcp.f32 v9  }
0x105: {  	v3 =	vmul.f32 $1.220703130e-04, v3;
	v12 =	vmul.f32 v11, v11;
	_ =	sdelay $0x1  }
0x106: {  	v4 =	vmul.f32 v3, v10;
	v13 =	vmul.f32 $1.111111120e-01, v12  }
0x107: {  	s29 =	simm.s32 $0x30  }
0x108: {  	v3 =	vld [tilespmem:s29+$0x2C00];
	v9 =	vadd.f32 $9.999999740e-06, v4;
	v13 =	vadd.f32 $1.428571490e-01, v13;
	_ =	sdelay $0x1  }
0x109: {  	v14 =	vand.u32 $0x7FFFFF, v9  }
0x10a: {  	v8 =	vadd.f32 $-1.000000000e+00, v8;
	v15 =	vor.u32 $0x3F800000, v14;
	v16 =	vmul.f32 v13, v12  }
0x10b: {  	s30 =	simm.s32 $0x40;
	v14 =	vadd.f32 $1.000000000e+00, v15;
	v13 =	vpop (erf)  }
0x10c: {  	v17 =	vld [tilespmem:s30+$0x2C00];
	v3 =	vmul.f32 $1.220703130e-04, v3;
	v13 =	vmul.f32 v13, v8;
	v8 =	vadd.f32 $2.000000030e-01, v16  }
0x10d: {  	(erf) = vrcp.f32 v14  }
0x10e: {  	v3 =	vmul.f32 v3, v10;
	v14 =	vmul.f32 v8, v12  }
0x10f: {  	v16 =	vmul.f32 v13, v13  }
0x110: {  	v8 =	vadd.f32 $9.999999740e-06, v3;
	v20 =	vadd.f32 $3.333333430e-01, v14  }
0x111: {  	v21 =	vmul.f32 $1.220703130e-04, v17;
	v19 =	vmul.f32 $1.111111120e-01, v16  }
0x112: {  	v6 =	vshrl.u32 v6, $0x17;
	v17 =	vand.u32 $0x7FFFFF, v8;
	v12 =	vmul.f32 v20, v12  }
0x113: {  	v6 =	vand.u32 $0xFF, v6;
	v17 =	vor.u32 $0x3F800000, v17;
	v19 =	vadd.f32 $1.428571490e-01, v19  }
0x114: {  	s31 =	simm.s32 $0x50;
	v20 =	vadd.s32 $0xFFFFFF81, v6;
	v6 =	vmul.f32 v21, v10;
	v21 =	vadd.f32 $1.000000000e+00, v17  }
0x115: {  	v22 =	vld [tilespmem:s31+$0x2C00];
	v15 =	vadd.f32 $-1.000000000e+00, v15;
	v19 =	vmul.f32 v19, v16;
	v23 =	vadd.f32 $1.000000000e+00, v12  }
0x116: {  	v20 =	vcvt.s32.f32 v20;
	v12 =	vpop (erf);
	(erf) = vrcp.f32 v21  }
0x117: {  	v19 =	vadd.f32 $2.000000030e-01, v19;
	v23 =	vmul.f32 v23, v11;
	v12 =	vmul.f32 v12, v15  }
0x118: {  	v14 =	vimm.f32 $0.0e+00;
	v24 =	vmul.f32 $6.931471820e-01, v20;
	v11 =	vadd.f32 $9.999999740e-06, v6  }
0x119: {  	v21 =	vmul.f32 v19, v16;
	v25 =	vadd.f32 v23, v23;
	v15 =	vmul.f32 v12, v12  }
0x11a: {  	v23 =	vmul.f32 $1.220703130e-04, v22;
	v22 =	vand.u32 $0x7FFFFF, v11;
	v19 =	vshrl.u32 v18, $0x17  }
0x11b: {  	s15 =	simm.s32 $0x180;
	v21 =	vadd.f32 $3.333333430e-01, v21;
	v18 =	vadd.f32 v25, v24;
	v20 =	vmul.f32 $1.111111120e-01, v15  }
.LBB2_11:
0x11c: {  	p0 =	sne.s32 s15, $0x9C0;
	v23 =	vmul.f32 v23, v10;
	v22 =	vor.u32 $0x3F800000, v22;
	v19 =	vand.u32 $0xFF, v19  }
0x11d: {  	v20 =	vadd.f32 $1.428571490e-01, v20;
	v28 =	vmul.f32 v21, v16;
	v18 =	vmul.f32 v18, v7;
	v7 =	vmovc v5;
	v5 =	vmovc v4  }
0x11e: {  	s16 =	sshra.s32 s15, $0x2;
	v24 =	vadd.f32 $-1.000000000e+00, v17;
	v21 =	vadd.f32 $1.000000000e+00, v22;
	v27 =	vadd.s32 $0xFFFFFF81, v19;
	v4 =	vmovc v3;
	v3 =	vmovc v6  }
0x11f: {  	v19 =	vld [tilespmem:s16+$0x2C00];
	v25 =	vpop (erf);
	v20 =	vmul.f32 v20, v15;
	v26 =	vadd.f32 $1.000000000e+00, v28;
	v14 =	vadd.f32 v18, v14  }
0x120: {  	v17 =	vmovc v22;
	v16 =	vmovc v15;
	v6 =	vmov v23;
	v18 =	vcvt.s32.f32 v27;
	(erf) = vrcp.f32 v21  }
.Ltmp7:
0x121: {  	v20 =	vadd.f32 $2.000000030e-01, v20;
	v21 =	vmul.f32 v26, v13;
	v13 =	vmovc v12;
	v12 =	vmul.f32 v25, v24;
	(pc) =	sbr.rel @p0 .LBB2_11-.Ltmp7, $4  }
0x122: {  	v24 =	vadd.f32 $9.999999740e-06, v6;
	v18 =	vmul.f32 $6.931471820e-01, v18  }
0x123: {  	v15 =	vmul.f32 v12, v12;
	v25 =	vmul.f32 v20, v16;
	v26 =	vadd.f32 v21, v21  }
0x124: {  	v22 =	vand.u32 $0x7FFFFF, v24;
	v23 =	vmul.f32 $1.220703130e-04, v19;
	v19 =	vshrl.u32 v9, $0x17;
	v9 =	vmovc v8;
	v8 =	vmovc v11  }
0x125: {  	s15 =	sadd.s32 $0x40, s15;
	v11 =	vmovc v24;
	v20 =	vmul.f32 $1.111111120e-01, v15;
	v21 =	vadd.f32 $3.333333430e-01, v25;
	v18 =	vadd.f32 v26, v18  }
0x126: {  	v10 =	vmul.f32 v23, v10;
	_ =	sdelay $0x1  }
0x127: {  	v23 =	vadd.f32 $9.999999740e-06, v10  }
0x128: {  	v22 =	vor.u32 $0x3F800000, v22  }
0x129: {  	v24 =	vadd.f32 $1.000000000e+00, v22;
	v25 =	vand.u32 $0x7FFFFF, v23  }
0x12a: {  	v25 =	vor.u32 $0x3F800000, v25  }
0x12b: {  	(erf) = vrcp.f32 v24;
	v34 =	vadd.f32 $1.000000000e+00, v25;
	_ =	sdelay $0x1  }
0x12c: {  	(erf) = vrcp.f32 v34;
	_ =	sdelay $0x2  }
0x12d: {  	v17 =	vadd.f32 $-1.000000000e+00, v17  }
0x12e: {  	v19 =	vand.u32 $0xFF, v19;
	v9 =	vshrl.u32 v9, $0x17;
	v8 =	vshrl.u32 v8, $0x17;
	v35 =	vpop (erf)  }
0x12f: {  	v20 =	vadd.f32 $1.428571490e-01, v20;
	v16 =	vmul.f32 v21, v16;
	v17 =	vmul.f32 v35, v17  }
0x130: {  	v19 =	vadd.s32 $0xFFFFFF81, v19;
	v7 =	vmul.f32 v18, v7;
	v37 =	vadd.f32 $-1.000000000e+00, v22  }
0x131: {  	v20 =	vmul.f32 v20, v15;
	v16 =	vadd.f32 $1.000000000e+00, v16;
	v39 =	vmul.f32 v17, v17;
	v38 =	vpop (erf)  }
0x132: {  	v36 =	vcvt.s32.f32 v19;
	v40 =	vadd.f32 $-1.000000000e+00, v25;
	v19 =	vmul.f32 v38, v37  }
0x133: {  	v20 =	vadd.f32 $2.000000030e-01, v20;
	v13 =	vmul.f32 v16, v13;
	v42 =	vmul.f32 $1.111111120e-01, v39;
	v43 =	vpop (erf)  }
0x134: {  	v11 =	vshrl.u32 v11, $0x17;
	v44 =	vmul.f32 v19, v19;
	v21 =	vmul.f32 v43, v40  }
0x135: {  	v18 =	vmul.f32 $6.931471820e-01, v36;
	v41 =	vmul.f32 v20, v15;
	v20 =	vadd.f32 $1.428571490e-01, v42  }
0x136: {  	v13 =	vadd.f32 v13, v13;
	v45 =	vmul.f32 $1.111111120e-01, v44;
	v22 =	vmul.f32 v21, v21  }
0x137: {  	v7 =	vadd.f32 v7, v14;
	v14 =	vadd.f32 $3.333333430e-01, v41;
	v46 =	vmul.f32 v20, v39  }
0x138: {  	v13 =	vadd.f32 v13, v18;
	v47 =	vadd.f32 $1.428571490e-01, v45;
	v48 =	vmul.f32 $1.111111120e-01, v22  }
0x139: {  	v9 =	vand.u32 $0xFF, v9;
	v14 =	vmul.f32 v14, v15;
	v15 =	vadd.f32 $2.000000030e-01, v46  }
0x13a: {  	v5 =	vmul.f32 v13, v5;
	v13 =	vmul.f32 v47, v44;
	v18 =	vadd.f32 $1.428571490e-01, v48  }
0x13b: {  	v8 =	vand.u32 $0xFF, v8;
	v14 =	vadd.f32 $1.000000000e+00, v14;
	v49 =	vmul.f32 v15, v39  }
0x13c: {  	v9 =	vadd.s32 $0xFFFFFF81, v9;
	v50 =	vadd.f32 $2.000000030e-01, v13;
	v51 =	vmul.f32 v18, v22  }
0x13d: {  	v9 =	vcvt.s32.f32 v9;
	v12 =	vmul.f32 v14, v12;
	v14 =	vadd.f32 $3.333333430e-01, v49  }
0x13e: {  	v5 =	vadd.f32 v5, v7;
	v7 =	vmul.f32 v50, v44;
	v13 =	vadd.f32 $2.000000030e-01, v51  }
0x13f: {  	v9 =	vmul.f32 $6.931471820e-01, v9;
	v12 =	vadd.f32 v12, v12;
	v52 =	vmul.f32 v14, v39  }
0x140: {  	v11 =	vand.u32 $0xFF, v11;
	v7 =	vadd.f32 $3.333333430e-01, v7;
	v13 =	vmul.f32 v13, v22  }
0x141: {  	v8 =	vadd.s32 $0xFFFFFF81, v8;
	v9 =	vadd.f32 v12, v9;
	v53 =	vadd.f32 $1.000000000e+00, v52  }
0x142: {  	v8 =	vcvt.s32.f32 v8;
	v7 =	vmul.f32 v7, v44;
	v54 =	vadd.f32 $3.333333430e-01, v13  }
0x143: {  	v11 =	vadd.s32 $0xFFFFFF81, v11;
	v4 =	vmul.f32 v9, v4;
	v9 =	vmul.f32 v53, v17  }
0x144: {  	v11 =	vcvt.s32.f32 v11;
	v7 =	vadd.f32 $1.000000000e+00, v7;
	v12 =	vmul.f32 v54, v22  }
0x145: {  	v55 =	vshrl.u32 v23, $0x17;
	v8 =	vmul.f32 $6.931471820e-01, v8;
	v9 =	vadd.f32 v9, v9  }
0x146: {  	v13 =	vand.u32 $0xFF, v55;
	v7 =	vmul.f32 v7, v19;
	v12 =	vadd.f32 $1.000000000e+00, v12  }
0x147: {  	v56 =	vmul.f32 $6.931471820e-01, v11;
	v8 =	vadd.f32 v9, v8;
	v57 =	vadd.s32 $0xFFFFFF81, v13  }
0x148: {  	v11 =	vcvt.s32.f32 v57;
	v7 =	vadd.f32 v7, v7;
	v12 =	vmul.f32 v12, v21  }
0x149: {  	v4 =	vadd.f32 v4, v5;
	v3 =	vmul.f32 v8, v3  }
0x14a: {  	v59 =	vmul.f32 $6.931471820e-01, v11;
	v58 =	vadd.f32 v7, v56;
	v60 =	vadd.f32 v12, v12;
	_ =	sdelay $0x1  }
0x14b: {  	v3 =	vadd.f32 v3, v4;
	v61 =	vmul.f32 v58, v6;
	v62 =	vadd.f32 v60, v59;
	_ =	sdelay $0x1  }
0x14c: {  	v3 =	vadd.f32 v61, v3;
	v63 =	vmul.f32 v62, v10;
	_ =	sdelay $0x1  }
0x14d: {  	v3 =	vadd.f32 v63, v3;
	_ =	sdelay $0x1  }
0x14e: {  	(xrf2) =	vadd.scan.msk.f32 $0xffff, v3;
	_ =	sdelay $0x9  }
0x14f: {  	v3, _, _ =	vpop (xrf2)  }
0x150: {  	(v2sf) =	vpush v3, $0xF;
	_ =	sdelay $0xe  }
0x151: {  	s15 =	spop (v2sf)  }
0x152: {  	s15 =	ssub.f32 $0.0e+00, s15;
	_ =	sdelay $0x1  }
0x153: {  	v3 =	vmov s15  }
0x154: {  	v3 =	vmul.f32 $1.442695020e+00, v3;
	_ =	sdelay $0x1  }
0x155: {  	v3 =	vbroadcast v3, $0x0;
	_ =	sdelay $0x1  }
0x156: {  	(erf) = vpow2.f32 v3;
	_ =	sdelay $0x8  }
0x157: {  	v3 =	vpop (erf)  }
0x158: {  	v3 =	vnsel vm0, $0x0, v3  }
.Ltmp8:
0x159: {  	[tilespmem:$0x2C00] =	vst v3;
	(pc) =	sbr.rel .LBB2_13-.Ltmp8, $4  }
0x15a: {  	[hbm4b:s7+s2] =	stream.linear.scatter [tilespmem:s12], [sflag:$0x1], $0x10, $0x38;
	[tilespmem:$0x4500] =	vst v63  }
0x15b: {  	_ =	swait.ge [sflag:s3], $0x10  }
0x15c: {  	[sflag:s3] =	ssyncset.done $0x0  }
0x15d: {  	[sflag:s3] =	ssyncadd.s32 $0xFFFFFFF0  }
.LBB2_14:
0x15e: {  	_ =	sfence.sel $0x180000  }
0x15f: {  	[bflag:$0x0] =	sbarrier.arrive $0xFFFF  }
0x160: {  	p0 =	sne.s32 s0, $0x0;
	_ =	strace $0x90000047  }
0x161: {  	s0 =	sadd.s32 @!p0 $0x100000, s1;
	[bflag:$0x2] =	sbarrier.arrive $0xFFFF  }
0x162: {  	[sflag:s0] =	ssyncadd.tile.s32 @!p0 $0x1;
	_ =	shalt  }
.Lfunc_end2:
_tile_overlayer_lowered:
.L_overlay_start_2:
0x163: {  	(tag) =	ssettag $0x2  }
0x164: {  	s0 =	rddreg [dreg:$0x0];
	s2 =	stileid.u32  }
0x165: {  	s1 =	rddreg [dreg:$0x1];
	p0 =	sne.s32 s2, $0x0  }
0x166: {  	s3 =	rddreg [dreg:$0x2];
	[bflag:$0x3] =	sbarrier.arrive $0xFFFF;
	s2 =	simm.s32 @!p0 $0x1C01  }
0x167: {  	[timem:s3], [sflag:s2] =	dma.local @!p0 [hbm:s0], s1  }
0x168: {  	s0 =	simm.s32 @!p0 $0x1  }
0x169: {  	_ =	swait.ge @!p0 [sflag:s0], s1  }
0x16a: {  	s1 =	ssub.s32 @!p0 $0x0, s1;
	[sflag:s0] =	ssyncset.done @!p0 $0x0  }
0x16b: {  	[sflag:s0] =	ssyncadd.s32 @!p0 s1  }
0x16c: {  	[bflag:$0x3] =	sbarrier.arrive $0xFFFF  }
0x16d: {  	_ =	shalt  }

</sc_bundles>
